<compile_context>
chip_gen: v7x
topology: tpu7x:2x2x1
jax: 0.10.2.dev20260603
libtpu: 0.0.44.dev20260713+nightly
codegen_flags: <defaults>
</compile_context>

<pallas_src>
import functools

import jax
import jax.numpy as jnp
from jax import lax
from jax.experimental import pallas as pl
from jax.experimental.pallas import tpu as pltpu
from jax.experimental.pallas import tpu_sc as plsc

N = 10000
E = 320000
D = 128
BN_EPS = 1e-5

NC = 2
NS = 16
NW = NC * NS
E_PER_W = E // NW
K = 40
CHUNKS = E_PER_W // K
G = 50
NG = CHUNKS // G
STRIPE = 624
TAIL = N - NS * STRIPE
LANES = 16


def _prep_body(ex0_ref, ex1_ref, ex2_ref, e0_ref, e1_ref, e2_ref,
               c_ref, comb_ref):
    c_ref[...] = ex0_ref[...] * 64 + ex1_ref[...] * 8 + ex2_ref[...]
    e12 = (e1_ref[...][:, None, :] + e2_ref[...][None, :, :]).reshape(64, D)
    comb_ref[...] = (e0_ref[...][:, None, :] + e12[None, :, :]).reshape(512, D)


_sc_mesh = plsc.VectorSubcoreMesh(core_axis_name="c", subcore_axis_name="s")


@functools.partial(
    pl.kernel,
    out_type=jax.ShapeDtypeStruct((NC, N, D), jnp.float32),
    mesh=_sc_mesh,
    scratch_types=[
        pltpu.VMEM((G, 2, K), jnp.int32),
        pltpu.VMEM((G, K), jnp.int32),
        pltpu.VMEM((K, D), jnp.float32),
        pltpu.VMEM((K, D), jnp.float32),
        pltpu.VMEM((K, D), jnp.float32),
        pltpu.VMEM((K, D), jnp.float32),
        pltpu.VMEM_SHARED((N, D), jnp.float32),
        pltpu.VMEM_SHARED((512, D), jnp.float32),
        pltpu.SemaphoreType.DMA,
        pltpu.SemaphoreType.DMA,
        pltpu.SemaphoreType.DMA,
        pltpu.SemaphoreType.DMA,
        pltpu.SemaphoreType.DMA,
        pltpu.SemaphoreType.DMA,
    ],
)
def _sc_agg(x_hbm, gidx_hbm, didx_hbm, comb_hbm, out_hbm,
            gbulk, dbulk, xb0, xb1, eb0, eb1, acc, combsp,
            gx0, gx1, ge0, ge1, sp0, sp1):
    cid = lax.axis_index("c")
    sid = lax.axis_index("s")
    wid = sid * NC + cid

    xbuf = (xb0, xb1)
    ebuf = (eb0, eb1)
    gxs = (gx0, gx1)
    ges = (ge0, ge1)
    sps = (sp0, sp1)

    @pl.when(sid == 0)
    def _stage_comb():
        pltpu.sync_copy(comb_hbm, combsp)

    def _zrow(r, carry):
        for j in range(D // LANES):
            xb0[r, pl.ds(j * LANES, LANES)] = jnp.zeros((LANES,), jnp.float32)
        return carry
    lax.fori_loop(0, K, _zrow, 0)
    for t in range(STRIPE // K):
        pltpu.sync_copy(xb0, acc.at[pl.ds(sid * STRIPE + t * K, K)])
    rem = STRIPE - (STRIPE // K) * K
    pltpu.sync_copy(xb0.at[pl.ds(0, rem)],
                    acc.at[pl.ds(sid * STRIPE + (STRIPE // K) * K, rem)])

    @pl.when(sid == 0)
    def _zero_tail():
        pltpu.sync_copy(xb0.at[pl.ds(0, TAIL)],
                        acc.at[pl.ds(NS * STRIPE, TAIL)])
    plsc.subcore_barrier()

    def _drain(q):
        pltpu.make_async_copy(xbuf[q], acc.at[dbulk.at[0]], sps[q]).wait()

    def _issue_gathers(i, p):
        pltpu.async_copy(x_hbm.at[gbulk.at[i, 0]], xbuf[p], gxs[p])
        pltpu.async_copy(combsp.at[gbulk.at[i, 1]], ebuf[p], ges[p])

    def _wait_gathers(i, p):
        pltpu.make_async_copy(x_hbm.at[gbulk.at[i, 0]], xbuf[p],
                              gxs[p]).wait()
        pltpu.make_async_copy(combsp.at[gbulk.at[i, 1]], ebuf[p],
                              ges[p]).wait()

    def _compute(p):
        @plsc.parallel_loop(0, K, step=1, unroll=4)
        def _row(k):
            for j in range(D // LANES):
                s = pl.ds(j * LANES, LANES)
                xbuf[p][k, s] = jnp.maximum(xbuf[p][k, s] + ebuf[p][k, s], 0.0)

    def _scatter(i, p):
        pltpu.async_copy(xbuf[p], acc.at[dbulk.at[i]], sps[p], add=True)

    def _group(t, carry):
        @pl.when(t > 0)
        def _drain_group_tail():
            _drain(1)
        pltpu.sync_copy(gidx_hbm.at[wid, pl.ds(t * G, G)], gbulk)
        pltpu.sync_copy(didx_hbm.at[wid, t], dbulk)
        _issue_gathers(0, 0)

        def _pair(u, carry2):
            iA = 2 * u

            @pl.when(u > 0)
            def _drain_a():
                _drain(1)
            _issue_gathers(iA + 1, 1)
            _wait_gathers(iA, 0)
            _compute(0)
            _scatter(iA, 0)

            _drain(0)

            @pl.when(iA + 2 < G)
            def _prefetch_b():
                _issue_gathers(iA + 2, 0)
            _wait_gathers(iA + 1, 1)
            _compute(1)
            _scatter(iA + 1, 1)
            return carry2
        lax.fori_loop(0, G // 2, _pair, 0)
        return carry
    lax.fori_loop(0, NG, _group, 0)

    _drain(1)

    plsc.subcore_barrier()
    pltpu.sync_copy(
        acc.at[pl.ds(sid * STRIPE, STRIPE)],
        out_hbm.at[cid, pl.ds(sid * STRIPE, STRIPE)])

    @pl.when(sid == 0)
    def _dump_tail():
        pltpu.sync_copy(acc.at[pl.ds(NS * STRIPE, TAIL)],
                        out_hbm.at[cid, pl.ds(NS * STRIPE, TAIL)])


RB = 1000
GRID1 = N // RB


def _mlp_body(eps_ref, x_ref, a0_ref, a1_ref, w1_ref, b1_ref,
              g_ref, be_ref, w2_ref, b2_ref, o_ref, h1_s, st_s):
    i = pl.program_id(0)
    r = i % GRID1

    @pl.when(i < GRID1)
    def _phase_a():
        h = (1.0 + eps_ref[0, 0]) * x_ref[...] + a0_ref[...] + a1_ref[...]
        h1 = jnp.dot(h, w1_ref[...], preferred_element_type=jnp.float32)
        h1 = h1 + b1_ref[...]
        h1_s[pl.ds(r * RB, RB), :] = h1

        @pl.when(i == 0)
        def _init():
            st_s[...] = jnp.zeros_like(st_s)

        st_s[0:1, :] += jnp.sum(h1, axis=0, keepdims=True)
        st_s[1:2, :] += jnp.sum(h1 * h1, axis=0, keepdims=True)

    @pl.when(i >= GRID1)
    def _phase_b():
        mu = st_s[0:1, :] * (1.0 / N)
        var = st_s[1:2, :] * (1.0 / N) - mu * mu
        inv = g_ref[...] * lax.rsqrt(var + BN_EPS)
        h1 = h1_s[pl.ds(r * RB, RB), :]
        z = jnp.maximum((h1 - mu) * inv + be_ref[...], 0.0)
        o_ref[...] = (jnp.dot(z, w2_ref[...],
                              preferred_element_type=jnp.float32)
                      + b2_ref[...])


def kernel(x, edge_index, ex, eps_p, W1, b1, gamma, beta, W2, b2,
           emb0, emb1, emb2):
    TD = 2 * D
    EROWS = E // D

    exT = ex.T
    ex0 = exT[0].reshape(EROWS, D)
    ex1 = exT[1].reshape(EROWS, D)
    ex2c = exT[2].reshape(EROWS, D)

    c2d, comb = pl.pallas_call(
        _prep_body,
        out_shape=[
            jax.ShapeDtypeStruct((EROWS, D), jnp.int32),
            jax.ShapeDtypeStruct((512, D), jnp.float32),
        ],
    )(ex0, ex1, ex2c, emb0, emb1, emb2)

    src3 = edge_index[0].reshape(NW, CHUNKS, K)
    dst4 = edge_index[1].reshape(NW, NG, G, K)
    c3 = c2d.reshape(NW, CHUNKS, K)
    gidx = jnp.stack([src3, c3], axis=2)

    agg = _sc_agg(x, gidx, dst4, comb)

    eps_arr = eps_p.reshape(1, 1)
    out = pl.pallas_call(
        _mlp_body,
        grid=(2 * GRID1,),
        in_specs=[
            pl.BlockSpec((1, 1), lambda i: (0, 0)),
            pl.BlockSpec((RB, D), lambda i: (i % GRID1, 0)),
            pl.BlockSpec((RB, D), lambda i: (i % GRID1, 0)),
            pl.BlockSpec((RB, D), lambda i: (i % GRID1, 0)),
            pl.BlockSpec((D, TD), lambda i: (0, 0)),
            pl.BlockSpec((1, TD), lambda i: (0, 0)),
            pl.BlockSpec((1, TD), lambda i: (0, 0)),
            pl.BlockSpec((1, TD), lambda i: (0, 0)),
            pl.BlockSpec((TD, D), lambda i: (0, 0)),
            pl.BlockSpec((1, D), lambda i: (0, 0)),
        ],
        out_specs=pl.BlockSpec((RB, D), lambda i: (i % GRID1, 0)),
        out_shape=jax.ShapeDtypeStruct((N, D), jnp.float32),
        scratch_shapes=[
            pltpu.VMEM((N, TD), jnp.float32),
            pltpu.VMEM((8, TD), jnp.float32),
        ],
    )(eps_arr, x, agg[0], agg[1], W1, b1.reshape(1, TD),
      gamma.reshape(1, TD), beta.reshape(1, TD), W2, b2.reshape(1, D))

    return out

# --- scband reference (transcript-rebuilt; emitter-appended) ---
"""Pipeline reference for scband-eginconv-56599079027144 (READ-ONLY COPY).

The authoritative reference and input builder live on the scoring server;
editing this copy changes nothing except your own understanding.
"""

import jax, jax.numpy as jnp
import numpy as np

N = 10000
E = 320000
D = 128
BN_EPS = 1e-5


def setup_inputs(seed: int = 0) -> dict:
    key = jax.random.key(seed)
    ks = jax.random.split(key, 10)
    x = jax.random.normal(ks[0], (N, D), dtype=jnp.float32)
    edge_index = jax.random.randint(ks[1], (2, E), 0, N, dtype=jnp.int32)
    ex = jax.random.randint(ks[2], (E, 3), 0, 8, dtype=jnp.int32)
    # learned params
    eps_p = jnp.zeros((), dtype=jnp.float32)
    W1 = jax.random.normal(ks[3], (D, 2 * D), dtype=jnp.float32) * 0.05
    b1 = jnp.zeros((2 * D,), dtype=jnp.float32)
    gamma = jnp.ones((2 * D,), dtype=jnp.float32)
    beta = jnp.zeros((2 * D,), dtype=jnp.float32)
    W2 = jax.random.normal(ks[4], (2 * D, D), dtype=jnp.float32) * 0.05
    b2 = jnp.zeros((D,), dtype=jnp.float32)
    emb0 = jax.random.normal(ks[5], (8, D), dtype=jnp.float32) * 0.05
    emb1 = jax.random.normal(ks[6], (8, D), dtype=jnp.float32) * 0.05
    emb2 = jax.random.normal(ks[7], (8, D), dtype=jnp.float32) * 0.05
    return {"x": x, "edge_index": edge_index, "ex": ex, "eps_p": eps_p,
            "W1": W1, "b1": b1, "gamma": gamma, "beta": beta,
            "W2": W2, "b2": b2, "emb0": emb0, "emb1": emb1, "emb2": emb2}


def reference(x, edge_index, ex, eps_p, W1, b1, gamma, beta, W2, b2, emb0, emb1, emb2):
    # BondEncoder: sum of per-field categorical embeddings
    eh = emb0[ex[:, 0]] + emb1[ex[:, 1]] + emb2[ex[:, 2]]
    src = edge_index[0]
    dst = edge_index[1]
    # copy_u then add edge embedding, relu
    m = jax.nn.relu(x[src] + eh)
    # sum aggregation onto destination nodes
    agg = jax.ops.segment_sum(m, dst, num_segments=N)
    h = (1.0 + eps_p) * x + agg
    # MLP: Linear -> BatchNorm1d (training-mode batch stats) -> ReLU -> Linear
    h1 = h @ W1 + b1
    mu = jnp.mean(h1, axis=0)
    var = jnp.var(h1, axis=0)
    h1 = (h1 - mu) / jnp.sqrt(var + BN_EPS) * gamma + beta
    h1 = jax.nn.relu(h1)
    out = h1 @ W2 + b2
    return out

if __name__ == "__main__":
    import jax
    _d = setup_inputs()
    print(jax.jit(kernel)(*tuple(_d.values())))

</pallas_src>

<mosaic_0001>
#map = affine_map<(d0, d1) -> (0, 0)>
#map1 = affine_map<(d0, d1) -> (0, 0, 0, 0)>
#map2 = affine_map<(d0, d1) -> (0, 0, 0)>
module attributes {stable_mosaic.version = 14 : i64} {
  func.func @_sc_agg(%arg0: i32, %arg1: i32, %arg2: memref<10000x128xf32, #tpu.memory_space<hbm>>, %arg3: memref<32x250x2x40xi32, #tpu.memory_space<hbm>>, %arg4: memref<32x5x50x40xi32, #tpu.memory_space<hbm>>, %arg5: memref<512x128xf32, #tpu.memory_space<hbm>>, %arg6: memref<2x10000x128xf32, #tpu.memory_space<hbm>>, %arg7: memref<50x2x40xi32, #tpu.memory_space<vmem>>, %arg8: memref<50x40xi32, #tpu.memory_space<vmem>>, %arg9: memref<40x128xf32, #tpu.memory_space<vmem>>, %arg10: memref<40x128xf32, #tpu.memory_space<vmem>>, %arg11: memref<40x128xf32, #tpu.memory_space<vmem>>, %arg12: memref<40x128xf32, #tpu.memory_space<vmem>>, %arg13: memref<10000x128xf32, #tpu.memory_space<vmem_shared>>, %arg14: memref<512x128xf32, #tpu.memory_space<vmem_shared>>, %arg15: memref<!tpu.dma_semaphore, #tpu.memory_space<semaphore_mem>>, %arg16: memref<!tpu.dma_semaphore, #tpu.memory_space<semaphore_mem>>, %arg17: memref<!tpu.dma_semaphore, #tpu.memory_space<semaphore_mem>>, %arg18: memref<!tpu.dma_semaphore, #tpu.memory_space<semaphore_mem>>, %arg19: memref<!tpu.dma_semaphore, #tpu.memory_space<semaphore_mem>>, %arg20: memref<!tpu.dma_semaphore, #tpu.memory_space<semaphore_mem>>) attributes {dimension_semantics = [#tpu.dimension_semantics<core_parallel>, #tpu.dimension_semantics<subcore_parallel>], iteration_bounds = array<i64: 2, 16>, scalar_prefetch = 0 : i64, scratch_operands = 14 : i64, tpu.core_type = #tpu.core_type<sc_vector_subcore>, window_params = [{transform_indices = #map}, {transform_indices = #map1}, {transform_indices = #map1}, {transform_indices = #map}, {transform_indices = #map2}]} {
    %mul3A = arith.constant 2 : i32
    %mul3A_0 = arith.muli %arg1, %mul3A : i32
    %add3A = arith.addi %mul3A_0, %arg0 : i32
    %eq3A = arith.constant 0 : i32
    %eq3A_1 = arith.cmpi eq, %arg1, %eq3A : i32
    %convert_element_type3A = arith.extui %eq3A_1 : i1 to i32
    %cond3A = arith.constant 0 : i32
    %cond3A_2 = arith.cmpi ne, %convert_element_type3A, %cond3A : i32
    scf.if %cond3A_2 {
      "tpu.region"() ({
        %run_scoped3A = tpu.sem_alloc : memref<!tpu.dma_semaphore, #tpu.memory_space<semaphore_mem>>
        tpu.enqueue_dma source(%arg5 : memref<512x128xf32, #tpu.memory_space<hbm>>) target(%arg14 : memref<512x128xf32, #tpu.memory_space<vmem_shared>>) target_semaphore(%run_scoped3A : memref<!tpu.dma_semaphore, #tpu.memory_space<semaphore_mem>>)
        tpu.wait_dma2 semaphore(%run_scoped3A : memref<!tpu.dma_semaphore, #tpu.memory_space<semaphore_mem>>) src(%arg5 : memref<512x128xf32, #tpu.memory_space<hbm>>) dst(%arg14 : memref<512x128xf32, #tpu.memory_space<vmem_shared>>)
        tpu.yield
      }) : () -> ()
    } else {
    }
    %scan3A = arith.constant 0 : i32
    %scan3A_3 = arith.constant 0 : i32
    %scan3A_4 = arith.constant 40 : i32
    %scan3A_5 = arith.addi %scan3A_3, %scan3A_4 : i32
    %scan3A_6 = arith.constant 1 : i32
    scf.for %scan3A_99 = %scan3A_3 to %scan3A_5 step %scan3A_6  : i32 {
      %broadcast_in_dim3A = arith.constant 0.000000e+00 : f32
      %broadcast_in_dim3A_100 = vector.broadcast %broadcast_in_dim3A : f32 to vector<16xf32>
      %swap3A = arith.index_cast %scan3A_99 : i32 to index
      %swap3A_101 = arith.constant 0 : index
      %swap3A_102 = tpu.vector_load %arg9[%swap3A, %swap3A_101] {strides = array<i32>} : memref<40x128xf32, #tpu.memory_space<vmem>>, vector<1x16xf32>,
      %swap3A_103 = vector.shape_cast %swap3A_102 : vector<1x16xf32> to vector<16xf32>
      %swap3A_104 = vector.shape_cast %broadcast_in_dim3A_100 : vector<16xf32> to vector<1x16xf32>
      tpu.vector_store %arg9[%swap3A, %swap3A_101], %swap3A_104 {strides = array<i32>} : memref<40x128xf32, #tpu.memory_space<vmem>>, vector<1x16xf32>,
      %broadcast_in_dim3A_105 = arith.constant 0.000000e+00 : f32
      %broadcast_in_dim3A_106 = vector.broadcast %broadcast_in_dim3A_105 : f32 to vector<16xf32>
      %swap3A_107 = arith.index_cast %scan3A_99 : i32 to index
      %swap3A_108 = arith.constant 16 : index
      %swap3A_109 = tpu.vector_load %arg9[%swap3A_107, %swap3A_108] {strides = array<i32>} : memref<40x128xf32, #tpu.memory_space<vmem>>, vector<1x16xf32>,
      %swap3A_110 = vector.shape_cast %swap3A_109 : vector<1x16xf32> to vector<16xf32>
      %swap3A_111 = vector.shape_cast %broadcast_in_dim3A_106 : vector<16xf32> to vector<1x16xf32>
      tpu.vector_store %arg9[%swap3A_107, %swap3A_108], %swap3A_111 {strides = array<i32>} : memref<40x128xf32, #tpu.memory_space<vmem>>, vector<1x16xf32>,
      %broadcast_in_dim3A_112 = arith.constant 0.000000e+00 : f32
      %broadcast_in_dim3A_113 = vector.broadcast %broadcast_in_dim3A_112 : f32 to vector<16xf32>
      %swap3A_114 = arith.index_cast %scan3A_99 : i32 to index
      %swap3A_115 = arith.constant 32 : index
      %swap3A_116 = tpu.vector_load %arg9[%swap3A_114, %swap3A_115] {strides = array<i32>} : memref<40x128xf32, #tpu.memory_space<vmem>>, vector<1x16xf32>,
      %swap3A_117 = vector.shape_cast %swap3A_116 : vector<1x16xf32> to vector<16xf32>
      %swap3A_118 = vector.shape_cast %broadcast_in_dim3A_113 : vector<16xf32> to vector<1x16xf32>
      tpu.vector_store %arg9[%swap3A_114, %swap3A_115], %swap3A_118 {strides = array<i32>} : memref<40x128xf32, #tpu.memory_space<vmem>>, vector<1x16xf32>,
      %broadcast_in_dim3A_119 = arith.constant 0.000000e+00 : f32
      %broadcast_in_dim3A_120 = vector.broadcast %broadcast_in_dim3A_119 : f32 to vector<16xf32>
      %swap3A_121 = arith.index_cast %scan3A_99 : i32 to index
      %swap3A_122 = arith.constant 48 : index
      %swap3A_123 = tpu.vector_load %arg9[%swap3A_121, %swap3A_122] {strides = array<i32>} : memref<40x128xf32, #tpu.memory_space<vmem>>, vector<1x16xf32>,
      %swap3A_124 = vector.shape_cast %swap3A_123 : vector<1x16xf32> to vector<16xf32>
      %swap3A_125 = vector.shape_cast %broadcast_in_dim3A_120 : vector<16xf32> to vector<1x16xf32>
      tpu.vector_store %arg9[%swap3A_121, %swap3A_122], %swap3A_125 {strides = array<i32>} : memref<40x128xf32, #tpu.memory_space<vmem>>, vector<1x16xf32>,
      %broadcast_in_dim3A_126 = arith.constant 0.000000e+00 : f32
      %broadcast_in_dim3A_127 = vector.broadcast %broadcast_in_dim3A_126 : f32 to vector<16xf32>
      %swap3A_128 = arith.index_cast %scan3A_99 : i32 to index
      %swap3A_129 = arith.constant 64 : index
      %swap3A_130 = tpu.vector_load %arg9[%swap3A_128, %swap3A_129] {strides = array<i32>} : memref<40x128xf32, #tpu.memory_space<vmem>>, vector<1x16xf32>,
      %swap3A_131 = vector.shape_cast %swap3A_130 : vector<1x16xf32> to vector<16xf32>
      %swap3A_132 = vector.shape_cast %broadcast_in_dim3A_127 : vector<16xf32> to vector<1x16xf32>
      tpu.vector_store %arg9[%swap3A_128, %swap3A_129], %swap3A_132 {strides = array<i32>} : memref<40x128xf32, #tpu.memory_space<vmem>>, vector<1x16xf32>,
      %broadcast_in_dim3A_133 = arith.constant 0.000000e+00 : f32
      %broadcast_in_dim3A_134 = vector.broadcast %broadcast_in_dim3A_133 : f32 to vector<16xf32>
      %swap3A_135 = arith.index_cast %scan3A_99 : i32 to index
      %swap3A_136 = arith.constant 80 : index
      %swap3A_137 = tpu.vector_load %arg9[%swap3A_135, %swap3A_136] {strides = array<i32>} : memref<40x128xf32, #tpu.memory_space<vmem>>, vector<1x16xf32>,
      %swap3A_138 = vector.shape_cast %swap3A_137 : vector<1x16xf32> to vector<16xf32>
      %swap3A_139 = vector.shape_cast %broadcast_in_dim3A_134 : vector<16xf32> to vector<1x16xf32>
      tpu.vector_store %arg9[%swap3A_135, %swap3A_136], %swap3A_139 {strides = array<i32>} : memref<40x128xf32, #tpu.memory_space<vmem>>, vector<1x16xf32>,
      %broadcast_in_dim3A_140 = arith.constant 0.000000e+00 : f32
      %broadcast_in_dim3A_141 = vector.broadcast %broadcast_in_dim3A_140 : f32 to vector<16xf32>
      %swap3A_142 = arith.index_cast %scan3A_99 : i32 to index
      %swap3A_143 = arith.constant 96 : index
      %swap3A_144 = tpu.vector_load %arg9[%swap3A_142, %swap3A_143] {strides = array<i32>} : memref<40x128xf32, #tpu.memory_space<vmem>>, vector<1x16xf32>,
      %swap3A_145 = vector.shape_cast %swap3A_144 : vector<1x16xf32> to vector<16xf32>
      %swap3A_146 = vector.shape_cast %broadcast_in_dim3A_141 : vector<16xf32> to vector<1x16xf32>
      tpu.vector_store %arg9[%swap3A_142, %swap3A_143], %swap3A_146 {strides = array<i32>} : memref<40x128xf32, #tpu.memory_space<vmem>>, vector<1x16xf32>,
      %broadcast_in_dim3A_147 = arith.constant 0.000000e+00 : f32
      %broadcast_in_dim3A_148 = vector.broadcast %broadcast_in_dim3A_147 : f32 to vector<16xf32>
      %swap3A_149 = arith.index_cast %scan3A_99 : i32 to index
      %swap3A_150 = arith.constant 112 : index
      %swap3A_151 = tpu.vector_load %arg9[%swap3A_149, %swap3A_150] {strides = array<i32>} : memref<40x128xf32, #tpu.memory_space<vmem>>, vector<1x16xf32>,
      %swap3A_152 = vector.shape_cast %swap3A_151 : vector<1x16xf32> to vector<16xf32>
      %swap3A_153 = vector.shape_cast %broadcast_in_dim3A_148 : vector<16xf32> to vector<1x16xf32>
      tpu.vector_store %arg9[%swap3A_149, %swap3A_150], %swap3A_153 {strides = array<i32>} : memref<40x128xf32, #tpu.memory_space<vmem>>, vector<1x16xf32>,
    }
    %scan3A_7 = arith.constant 40 : i32
    %mul3A_8 = arith.constant 624 : i32
    %mul3A_9 = arith.muli %arg1, %mul3A_8 : i32
    %add3A_10 = arith.constant 0 : i32
    %add3A_11 = arith.addi %mul3A_9, %add3A_10 : i32
    "tpu.region"() ({
      %run_scoped3A = tpu.sem_alloc : memref<!tpu.dma_semaphore, #tpu.memory_space<semaphore_mem>>
      %dma_start3A = arith.constant 0 : i32
      %dma_start3A_99 = tpu.memref_slice %arg13[%add3A_11, %dma_start3A] : memref<10000x128xf32, #tpu.memory_space<vmem_shared>> -> memref<40x128xf32, #tpu.memory_space<vmem_shared>>
      %dma_start3A_100 = arith.constant 0 : i32
      %dma_start3A_101 = tpu.memref_slice %arg13[%add3A_11, %dma_start3A_100] : memref<10000x128xf32, #tpu.memory_space<vmem_shared>> -> memref<40x128xf32, #tpu.memory_space<vmem_shared>>
      tpu.enqueue_dma source(%arg9 : memref<40x128xf32, #tpu.memory_space<vmem>>) target(%dma_start3A_101 : memref<40x128xf32, #tpu.memory_space<vmem_shared>>) target_semaphore(%run_scoped3A : memref<!tpu.dma_semaphore, #tpu.memory_space<semaphore_mem>>)
      %dma_wait3A_102 = arith.constant 0 : i32
      %dma_wait3A_103 = tpu.memref_slice %arg13[%add3A_11, %dma_wait3A_102] : memref<10000x128xf32, #tpu.memory_space<vmem_shared>> -> memref<40x128xf32, #tpu.memory_space<vmem_shared>>
      %dma_wait3A_104 = arith.constant 0 : i32
      %dma_wait3A_105 = tpu.memref_slice %arg13[%add3A_11, %dma_wait3A_104] : memref<10000x128xf32, #tpu.memory_space<vmem_shared>> -> memref<40x128xf32, #tpu.memory_space<vmem_shared>>
      tpu.wait_dma2 semaphore(%run_scoped3A : memref<!tpu.dma_semaphore, #tpu.memory_space<semaphore_mem>>) src(%arg9 : memref<40x128xf32, #tpu.memory_space<vmem>>) dst(%dma_wait3A_105 : memref<40x128xf32, #tpu.memory_space<vmem_shared>>)
      tpu.yield
    }) : () -> ()
    %mul3A_12 = arith.constant 624 : i32
    %mul3A_13 = arith.muli %arg1, %mul3A_12 : i32
    %add3A_14 = arith.constant 40 : i32
    %add3A_15 = arith.addi %mul3A_13, %add3A_14 : i32
    "tpu.region"() ({
      %run_scoped3A = tpu.sem_alloc : memref<!tpu.dma_semaphore, #tpu.memory_space<semaphore_mem>>
      %dma_start3A = arith.constant 0 : i32
      %dma_start3A_99 = tpu.memref_slice %arg13[%add3A_15, %dma_start3A] : memref<10000x128xf32, #tpu.memory_space<vmem_shared>> -> memref<40x128xf32, #tpu.memory_space<vmem_shared>>
      %dma_start3A_100 = arith.constant 0 : i32
      %dma_start3A_101 = tpu.memref_slice %arg13[%add3A_15, %dma_start3A_100] : memref<10000x128xf32, #tpu.memory_space<vmem_shared>> -> memref<40x128xf32, #tpu.memory_space<vmem_shared>>
      tpu.enqueue_dma source(%arg9 : memref<40x128xf32, #tpu.memory_space<vmem>>) target(%dma_start3A_101 : memref<40x128xf32, #tpu.memory_space<vmem_shared>>) target_semaphore(%run_scoped3A : memref<!tpu.dma_semaphore, #tpu.memory_space<semaphore_mem>>)
      %dma_wait3A_102 = arith.constant 0 : i32
      %dma_wait3A_103 = tpu.memref_slice %arg13[%add3A_15, %dma_wait3A_102] : memref<10000x128xf32, #tpu.memory_space<vmem_shared>> -> memref<40x128xf32, #tpu.memory_space<vmem_shared>>
      %dma_wait3A_104 = arith.constant 0 : i32
      %dma_wait3A_105 = tpu.memref_slice %arg13[%add3A_15, %dma_wait3A_104] : memref<10000x128xf32, #tpu.memory_space<vmem_shared>> -> memref<40x128xf32, #tpu.memory_space<vmem_shared>>
      tpu.wait_dma2 semaphore(%run_scoped3A : memref<!tpu.dma_semaphore, #tpu.memory_space<semaphore_mem>>) src(%arg9 : memref<40x128xf32, #tpu.memory_space<vmem>>) dst(%dma_wait3A_105 : memref<40x128xf32, #tpu.memory_space<vmem_shared>>)
      tpu.yield
    }) : () -> ()
    %mul3A_16 = arith.constant 624 : i32
    %mul3A_17 = arith.muli %arg1, %mul3A_16 : i32
    %add3A_18 = arith.constant 80 : i32
    %add3A_19 = arith.addi %mul3A_17, %add3A_18 : i32
    "tpu.region"() ({
      %run_scoped3A = tpu.sem_alloc : memref<!tpu.dma_semaphore, #tpu.memory_space<semaphore_mem>>
      %dma_start3A = arith.constant 0 : i32
      %dma_start3A_99 = tpu.memref_slice %arg13[%add3A_19, %dma_start3A] : memref<10000x128xf32, #tpu.memory_space<vmem_shared>> -> memref<40x128xf32, #tpu.memory_space<vmem_shared>>
      %dma_start3A_100 = arith.constant 0 : i32
      %dma_start3A_101 = tpu.memref_slice %arg13[%add3A_19, %dma_start3A_100] : memref<10000x128xf32, #tpu.memory_space<vmem_shared>> -> memref<40x128xf32, #tpu.memory_space<vmem_shared>>
      tpu.enqueue_dma source(%arg9 : memref<40x128xf32, #tpu.memory_space<vmem>>) target(%dma_start3A_101 : memref<40x128xf32, #tpu.memory_space<vmem_shared>>) target_semaphore(%run_scoped3A : memref<!tpu.dma_semaphore, #tpu.memory_space<semaphore_mem>>)
      %dma_wait3A_102 = arith.constant 0 : i32
      %dma_wait3A_103 = tpu.memref_slice %arg13[%add3A_19, %dma_wait3A_102] : memref<10000x128xf32, #tpu.memory_space<vmem_shared>> -> memref<40x128xf32, #tpu.memory_space<vmem_shared>>
      %dma_wait3A_104 = arith.constant 0 : i32
      %dma_wait3A_105 = tpu.memref_slice %arg13[%add3A_19, %dma_wait3A_104] : memref<10000x128xf32, #tpu.memory_space<vmem_shared>> -> memref<40x128xf32, #tpu.memory_space<vmem_shared>>
      tpu.wait_dma2 semaphore(%run_scoped3A : memref<!tpu.dma_semaphore, #tpu.memory_space<semaphore_mem>>) src(%arg9 : memref<40x128xf32, #tpu.memory_space<vmem>>) dst(%dma_wait3A_105 : memref<40x128xf32, #tpu.memory_space<vmem_shared>>)
      tpu.yield
    }) : () -> ()
    %mul3A_20 = arith.constant 624 : i32
    %mul3A_21 = arith.muli %arg1, %mul3A_20 : i32
    %add3A_22 = arith.constant 120 : i32
    %add3A_23 = arith.addi %mul3A_21, %add3A_22 : i32
    "tpu.region"() ({
      %run_scoped3A = tpu.sem_alloc : memref<!tpu.dma_semaphore, #tpu.memory_space<semaphore_mem>>
      %dma_start3A = arith.constant 0 : i32
      %dma_start3A_99 = tpu.memref_slice %arg13[%add3A_23, %dma_start3A] : memref<10000x128xf32, #tpu.memory_space<vmem_shared>> -> memref<40x128xf32, #tpu.memory_space<vmem_shared>>
      %dma_start3A_100 = arith.constant 0 : i32
      %dma_start3A_101 = tpu.memref_slice %arg13[%add3A_23, %dma_start3A_100] : memref<10000x128xf32, #tpu.memory_space<vmem_shared>> -> memref<40x128xf32, #tpu.memory_space<vmem_shared>>
      tpu.enqueue_dma source(%arg9 : memref<40x128xf32, #tpu.memory_space<vmem>>) target(%dma_start3A_101 : memref<40x128xf32, #tpu.memory_space<vmem_shared>>) target_semaphore(%run_scoped3A : memref<!tpu.dma_semaphore, #tpu.memory_space<semaphore_mem>>)
      %dma_wait3A_102 = arith.constant 0 : i32
      %dma_wait3A_103 = tpu.memref_slice %arg13[%add3A_23, %dma_wait3A_102] : memref<10000x128xf32, #tpu.memory_space<vmem_shared>> -> memref<40x128xf32, #tpu.memory_space<vmem_shared>>
      %dma_wait3A_104 = arith.constant 0 : i32
      %dma_wait3A_105 = tpu.memref_slice %arg13[%add3A_23, %dma_wait3A_104] : memref<10000x128xf32, #tpu.memory_space<vmem_shared>> -> memref<40x128xf32, #tpu.memory_space<vmem_shared>>
      tpu.wait_dma2 semaphore(%run_scoped3A : memref<!tpu.dma_semaphore, #tpu.memory_space<semaphore_mem>>) src(%arg9 : memref<40x128xf32, #tpu.memory_space<vmem>>) dst(%dma_wait3A_105 : memref<40x128xf32, #tpu.memory_space<vmem_shared>>)
      tpu.yield
    }) : () -> ()
    %mul3A_24 = arith.constant 624 : i32
    %mul3A_25 = arith.muli %arg1, %mul3A_24 : i32
    %add3A_26 = arith.constant 160 : i32
    %add3A_27 = arith.addi %mul3A_25, %add3A_26 : i32
    "tpu.region"() ({
      %run_scoped3A = tpu.sem_alloc : memref<!tpu.dma_semaphore, #tpu.memory_space<semaphore_mem>>
      %dma_start3A = arith.constant 0 : i32
      %dma_start3A_99 = tpu.memref_slice %arg13[%add3A_27, %dma_start3A] : memref<10000x128xf32, #tpu.memory_space<vmem_shared>> -> memref<40x128xf32, #tpu.memory_space<vmem_shared>>
      %dma_start3A_100 = arith.constant 0 : i32
      %dma_start3A_101 = tpu.memref_slice %arg13[%add3A_27, %dma_start3A_100] : memref<10000x128xf32, #tpu.memory_space<vmem_shared>> -> memref<40x128xf32, #tpu.memory_space<vmem_shared>>
      tpu.enqueue_dma source(%arg9 : memref<40x128xf32, #tpu.memory_space<vmem>>) target(%dma_start3A_101 : memref<40x128xf32, #tpu.memory_space<vmem_shared>>) target_semaphore(%run_scoped3A : memref<!tpu.dma_semaphore, #tpu.memory_space<semaphore_mem>>)
      %dma_wait3A_102 = arith.constant 0 : i32
      %dma_wait3A_103 = tpu.memref_slice %arg13[%add3A_27, %dma_wait3A_102] : memref<10000x128xf32, #tpu.memory_space<vmem_shared>> -> memref<40x128xf32, #tpu.memory_space<vmem_shared>>
      %dma_wait3A_104 = arith.constant 0 : i32
      %dma_wait3A_105 = tpu.memref_slice %arg13[%add3A_27, %dma_wait3A_104] : memref<10000x128xf32, #tpu.memory_space<vmem_shared>> -> memref<40x128xf32, #tpu.memory_space<vmem_shared>>
      tpu.wait_dma2 semaphore(%run_scoped3A : memref<!tpu.dma_semaphore, #tpu.memory_space<semaphore_mem>>) src(%arg9 : memref<40x128xf32, #tpu.memory_space<vmem>>) dst(%dma_wait3A_105 : memref<40x128xf32, #tpu.memory_space<vmem_shared>>)
      tpu.yield
    }) : () -> ()
    %mul3A_28 = arith.constant 624 : i32
    %mul3A_29 = arith.muli %arg1, %mul3A_28 : i32
    %add3A_30 = arith.constant 200 : i32
    %add3A_31 = arith.addi %mul3A_29, %add3A_30 : i32
    "tpu.region"() ({
      %run_scoped3A = tpu.sem_alloc : memref<!tpu.dma_semaphore, #tpu.memory_space<semaphore_mem>>
      %dma_start3A = arith.constant 0 : i32
      %dma_start3A_99 = tpu.memref_slice %arg13[%add3A_31, %dma_start3A] : memref<10000x128xf32, #tpu.memory_space<vmem_shared>> -> memref<40x128xf32, #tpu.memory_space<vmem_shared>>
      %dma_start3A_100 = arith.constant 0 : i32
      %dma_start3A_101 = tpu.memref_slice %arg13[%add3A_31, %dma_start3A_100] : memref<10000x128xf32, #tpu.memory_space<vmem_shared>> -> memref<40x128xf32, #tpu.memory_space<vmem_shared>>
      tpu.enqueue_dma source(%arg9 : memref<40x128xf32, #tpu.memory_space<vmem>>) target(%dma_start3A_101 : memref<40x128xf32, #tpu.memory_space<vmem_shared>>) target_semaphore(%run_scoped3A : memref<!tpu.dma_semaphore, #tpu.memory_space<semaphore_mem>>)
      %dma_wait3A_102 = arith.constant 0 : i32
      %dma_wait3A_103 = tpu.memref_slice %arg13[%add3A_31, %dma_wait3A_102] : memref<10000x128xf32, #tpu.memory_space<vmem_shared>> -> memref<40x128xf32, #tpu.memory_space<vmem_shared>>
      %dma_wait3A_104 = arith.constant 0 : i32
      %dma_wait3A_105 = tpu.memref_slice %arg13[%add3A_31, %dma_wait3A_104] : memref<10000x128xf32, #tpu.memory_space<vmem_shared>> -> memref<40x128xf32, #tpu.memory_space<vmem_shared>>
      tpu.wait_dma2 semaphore(%run_scoped3A : memref<!tpu.dma_semaphore, #tpu.memory_space<semaphore_mem>>) src(%arg9 : memref<40x128xf32, #tpu.memory_space<vmem>>) dst(%dma_wait3A_105 : memref<40x128xf32, #tpu.memory_space<vmem_shared>>)
      tpu.yield
    }) : () -> ()
    %mul3A_32 = arith.constant 624 : i32
    %mul3A_33 = arith.muli %arg1, %mul3A_32 : i32
    %add3A_34 = arith.constant 240 : i32
    %add3A_35 = arith.addi %mul3A_33, %add3A_34 : i32
    "tpu.region"() ({
      %run_scoped3A = tpu.sem_alloc : memref<!tpu.dma_semaphore, #tpu.memory_space<semaphore_mem>>
      %dma_start3A = arith.constant 0 : i32
      %dma_start3A_99 = tpu.memref_slice %arg13[%add3A_35, %dma_start3A] : memref<10000x128xf32, #tpu.memory_space<vmem_shared>> -> memref<40x128xf32, #tpu.memory_space<vmem_shared>>
      %dma_start3A_100 = arith.constant 0 : i32
      %dma_start3A_101 = tpu.memref_slice %arg13[%add3A_35, %dma_start3A_100] : memref<10000x128xf32, #tpu.memory_space<vmem_shared>> -> memref<40x128xf32, #tpu.memory_space<vmem_shared>>
      tpu.enqueue_dma source(%arg9 : memref<40x128xf32, #tpu.memory_space<vmem>>) target(%dma_start3A_101 : memref<40x128xf32, #tpu.memory_space<vmem_shared>>) target_semaphore(%run_scoped3A : memref<!tpu.dma_semaphore, #tpu.memory_space<semaphore_mem>>)
      %dma_wait3A_102 = arith.constant 0 : i32
      %dma_wait3A_103 = tpu.memref_slice %arg13[%add3A_35, %dma_wait3A_102] : memref<10000x128xf32, #tpu.memory_space<vmem_shared>> -> memref<40x128xf32, #tpu.memory_space<vmem_shared>>
      %dma_wait3A_104 = arith.constant 0 : i32
      %dma_wait3A_105 = tpu.memref_slice %arg13[%add3A_35, %dma_wait3A_104] : memref<10000x128xf32, #tpu.memory_space<vmem_shared>> -> memref<40x128xf32, #tpu.memory_space<vmem_shared>>
      tpu.wait_dma2 semaphore(%run_scoped3A : memref<!tpu.dma_semaphore, #tpu.memory_space<semaphore_mem>>) src(%arg9 : memref<40x128xf32, #tpu.memory_space<vmem>>) dst(%dma_wait3A_105 : memref<40x128xf32, #tpu.memory_space<vmem_shared>>)
      tpu.yield
    }) : () -> ()
    %mul3A_36 = arith.constant 624 : i32
    %mul3A_37 = arith.muli %arg1, %mul3A_36 : i32
    %add3A_38 = arith.constant 280 : i32
    %add3A_39 = arith.addi %mul3A_37, %add3A_38 : i32
    "tpu.region"() ({
      %run_scoped3A = tpu.sem_alloc : memref<!tpu.dma_semaphore, #tpu.memory_space<semaphore_mem>>
      %dma_start3A = arith.constant 0 : i32
      %dma_start3A_99 = tpu.memref_slice %arg13[%add3A_39, %dma_start3A] : memref<10000x128xf32, #tpu.memory_space<vmem_shared>> -> memref<40x128xf32, #tpu.memory_space<vmem_shared>>
      %dma_start3A_100 = arith.constant 0 : i32
      %dma_start3A_101 = tpu.memref_slice %arg13[%add3A_39, %dma_start3A_100] : memref<10000x128xf32, #tpu.memory_space<vmem_shared>> -> memref<40x128xf32, #tpu.memory_space<vmem_shared>>
      tpu.enqueue_dma source(%arg9 : memref<40x128xf32, #tpu.memory_space<vmem>>) target(%dma_start3A_101 : memref<40x128xf32, #tpu.memory_space<vmem_shared>>) target_semaphore(%run_scoped3A : memref<!tpu.dma_semaphore, #tpu.memory_space<semaphore_mem>>)
      %dma_wait3A_102 = arith.constant 0 : i32
      %dma_wait3A_103 = tpu.memref_slice %arg13[%add3A_39, %dma_wait3A_102] : memref<10000x128xf32, #tpu.memory_space<vmem_shared>> -> memref<40x128xf32, #tpu.memory_space<vmem_shared>>
      %dma_wait3A_104 = arith.constant 0 : i32
      %dma_wait3A_105 = tpu.memref_slice %arg13[%add3A_39, %dma_wait3A_104] : memref<10000x128xf32, #tpu.memory_space<vmem_shared>> -> memref<40x128xf32, #tpu.memory_space<vmem_shared>>
      tpu.wait_dma2 semaphore(%run_scoped3A : memref<!tpu.dma_semaphore, #tpu.memory_space<semaphore_mem>>) src(%arg9 : memref<40x128xf32, #tpu.memory_space<vmem>>) dst(%dma_wait3A_105 : memref<40x128xf32, #tpu.memory_space<vmem_shared>>)
      tpu.yield
    }) : () -> ()
    %mul3A_40 = arith.constant 624 : i32
    %mul3A_41 = arith.muli %arg1, %mul3A_40 : i32
    %add3A_42 = arith.constant 320 : i32
    %add3A_43 = arith.addi %mul3A_41, %add3A_42 : i32
    "tpu.region"() ({
      %run_scoped3A = tpu.sem_alloc : memref<!tpu.dma_semaphore, #tpu.memory_space<semaphore_mem>>
      %dma_start3A = arith.constant 0 : i32
      %dma_start3A_99 = tpu.memref_slice %arg13[%add3A_43, %dma_start3A] : memref<10000x128xf32, #tpu.memory_space<vmem_shared>> -> memref<40x128xf32, #tpu.memory_space<vmem_shared>>
      %dma_start3A_100 = arith.constant 0 : i32
      %dma_start3A_101 = tpu.memref_slice %arg13[%add3A_43, %dma_start3A_100] : memref<10000x128xf32, #tpu.memory_space<vmem_shared>> -> memref<40x128xf32, #tpu.memory_space<vmem_shared>>
      tpu.enqueue_dma source(%arg9 : memref<40x128xf32, #tpu.memory_space<vmem>>) target(%dma_start3A_101 : memref<40x128xf32, #tpu.memory_space<vmem_shared>>) target_semaphore(%run_scoped3A : memref<!tpu.dma_semaphore, #tpu.memory_space<semaphore_mem>>)
      %dma_wait3A_102 = arith.constant 0 : i32
      %dma_wait3A_103 = tpu.memref_slice %arg13[%add3A_43, %dma_wait3A_102] : memref<10000x128xf32, #tpu.memory_space<vmem_shared>> -> memref<40x128xf32, #tpu.memory_space<vmem_shared>>
      %dma_wait3A_104 = arith.constant 0 : i32
      %dma_wait3A_105 = tpu.memref_slice %arg13[%add3A_43, %dma_wait3A_104] : memref<10000x128xf32, #tpu.memory_space<vmem_shared>> -> memref<40x128xf32, #tpu.memory_space<vmem_shared>>
      tpu.wait_dma2 semaphore(%run_scoped3A : memref<!tpu.dma_semaphore, #tpu.memory_space<semaphore_mem>>) src(%arg9 : memref<40x128xf32, #tpu.memory_space<vmem>>) dst(%dma_wait3A_105 : memref<40x128xf32, #tpu.memory_space<vmem_shared>>)
      tpu.yield
    }) : () -> ()
    %mul3A_44 = arith.constant 624 : i32
    %mul3A_45 = arith.muli %arg1, %mul3A_44 : i32
    %add3A_46 = arith.constant 360 : i32
    %add3A_47 = arith.addi %mul3A_45, %add3A_46 : i32
    "tpu.region"() ({
      %run_scoped3A = tpu.sem_alloc : memref<!tpu.dma_semaphore, #tpu.memory_space<semaphore_mem>>
      %dma_start3A = arith.constant 0 : i32
      %dma_start3A_99 = tpu.memref_slice %arg13[%add3A_47, %dma_start3A] : memref<10000x128xf32, #tpu.memory_space<vmem_shared>> -> memref<40x128xf32, #tpu.memory_space<vmem_shared>>
      %dma_start3A_100 = arith.constant 0 : i32
      %dma_start3A_101 = tpu.memref_slice %arg13[%add3A_47, %dma_start3A_100] : memref<10000x128xf32, #tpu.memory_space<vmem_shared>> -> memref<40x128xf32, #tpu.memory_space<vmem_shared>>
      tpu.enqueue_dma source(%arg9 : memref<40x128xf32, #tpu.memory_space<vmem>>) target(%dma_start3A_101 : memref<40x128xf32, #tpu.memory_space<vmem_shared>>) target_semaphore(%run_scoped3A : memref<!tpu.dma_semaphore, #tpu.memory_space<semaphore_mem>>)
      %dma_wait3A_102 = arith.constant 0 : i32
      %dma_wait3A_103 = tpu.memref_slice %arg13[%add3A_47, %dma_wait3A_102] : memref<10000x128xf32, #tpu.memory_space<vmem_shared>> -> memref<40x128xf32, #tpu.memory_space<vmem_shared>>
      %dma_wait3A_104 = arith.constant 0 : i32
      %dma_wait3A_105 = tpu.memref_slice %arg13[%add3A_47, %dma_wait3A_104] : memref<10000x128xf32, #tpu.memory_space<vmem_shared>> -> memref<40x128xf32, #tpu.memory_space<vmem_shared>>
      tpu.wait_dma2 semaphore(%run_scoped3A : memref<!tpu.dma_semaphore, #tpu.memory_space<semaphore_mem>>) src(%arg9 : memref<40x128xf32, #tpu.memory_space<vmem>>) dst(%dma_wait3A_105 : memref<40x128xf32, #tpu.memory_space<vmem_shared>>)
      tpu.yield
    }) : () -> ()
    %mul3A_48 = arith.constant 624 : i32
    %mul3A_49 = arith.muli %arg1, %mul3A_48 : i32
    %add3A_50 = arith.constant 400 : i32
    %add3A_51 = arith.addi %mul3A_49, %add3A_50 : i32
    "tpu.region"() ({
      %run_scoped3A = tpu.sem_alloc : memref<!tpu.dma_semaphore, #tpu.memory_space<semaphore_mem>>
      %dma_start3A = arith.constant 0 : i32
      %dma_start3A_99 = tpu.memref_slice %arg13[%add3A_51, %dma_start3A] : memref<10000x128xf32, #tpu.memory_space<vmem_shared>> -> memref<40x128xf32, #tpu.memory_space<vmem_shared>>
      %dma_start3A_100 = arith.constant 0 : i32
      %dma_start3A_101 = tpu.memref_slice %arg13[%add3A_51, %dma_start3A_100] : memref<10000x128xf32, #tpu.memory_space<vmem_shared>> -> memref<40x128xf32, #tpu.memory_space<vmem_shared>>
      tpu.enqueue_dma source(%arg9 : memref<40x128xf32, #tpu.memory_space<vmem>>) target(%dma_start3A_101 : memref<40x128xf32, #tpu.memory_space<vmem_shared>>) target_semaphore(%run_scoped3A : memref<!tpu.dma_semaphore, #tpu.memory_space<semaphore_mem>>)
      %dma_wait3A_102 = arith.constant 0 : i32
      %dma_wait3A_103 = tpu.memref_slice %arg13[%add3A_51, %dma_wait3A_102] : memref<10000x128xf32, #tpu.memory_space<vmem_shared>> -> memref<40x128xf32, #tpu.memory_space<vmem_shared>>
      %dma_wait3A_104 = arith.constant 0 : i32
      %dma_wait3A_105 = tpu.memref_slice %arg13[%add3A_51, %dma_wait3A_104] : memref<10000x128xf32, #tpu.memory_space<vmem_shared>> -> memref<40x128xf32, #tpu.memory_space<vmem_shared>>
      tpu.wait_dma2 semaphore(%run_scoped3A : memref<!tpu.dma_semaphore, #tpu.memory_space<semaphore_mem>>) src(%arg9 : memref<40x128xf32, #tpu.memory_space<vmem>>) dst(%dma_wait3A_105 : memref<40x128xf32, #tpu.memory_space<vmem_shared>>)
      tpu.yield
    }) : () -> ()
    %mul3A_52 = arith.constant 624 : i32
    %mul3A_53 = arith.muli %arg1, %mul3A_52 : i32
    %add3A_54 = arith.constant 440 : i32
    %add3A_55 = arith.addi %mul3A_53, %add3A_54 : i32
    "tpu.region"() ({
      %run_scoped3A = tpu.sem_alloc : memref<!tpu.dma_semaphore, #tpu.memory_space<semaphore_mem>>
      %dma_start3A = arith.constant 0 : i32
      %dma_start3A_99 = tpu.memref_slice %arg13[%add3A_55, %dma_start3A] : memref<10000x128xf32, #tpu.memory_space<vmem_shared>> -> memref<40x128xf32, #tpu.memory_space<vmem_shared>>
      %dma_start3A_100 = arith.constant 0 : i32
      %dma_start3A_101 = tpu.memref_slice %arg13[%add3A_55, %dma_start3A_100] : memref<10000x128xf32, #tpu.memory_space<vmem_shared>> -> memref<40x128xf32, #tpu.memory_space<vmem_shared>>
      tpu.enqueue_dma source(%arg9 : memref<40x128xf32, #tpu.memory_space<vmem>>) target(%dma_start3A_101 : memref<40x128xf32, #tpu.memory_space<vmem_shared>>) target_semaphore(%run_scoped3A : memref<!tpu.dma_semaphore, #tpu.memory_space<semaphore_mem>>)
      %dma_wait3A_102 = arith.constant 0 : i32
      %dma_wait3A_103 = tpu.memref_slice %arg13[%add3A_55, %dma_wait3A_102] : memref<10000x128xf32, #tpu.memory_space<vmem_shared>> -> memref<40x128xf32, #tpu.memory_space<vmem_shared>>
      %dma_wait3A_104 = arith.constant 0 : i32
      %dma_wait3A_105 = tpu.memref_slice %arg13[%add3A_55, %dma_wait3A_104] : memref<10000x128xf32, #tpu.memory_space<vmem_shared>> -> memref<40x128xf32, #tpu.memory_space<vmem_shared>>
      tpu.wait_dma2 semaphore(%run_scoped3A : memref<!tpu.dma_semaphore, #tpu.memory_space<semaphore_mem>>) src(%arg9 : memref<40x128xf32, #tpu.memory_space<vmem>>) dst(%dma_wait3A_105 : memref<40x128xf32, #tpu.memory_space<vmem_shared>>)
      tpu.yield
    }) : () -> ()
    %mul3A_56 = arith.constant 624 : i32
    %mul3A_57 = arith.muli %arg1, %mul3A_56 : i32
    %add3A_58 = arith.constant 480 : i32
    %add3A_59 = arith.addi %mul3A_57, %add3A_58 : i32
    "tpu.region"() ({
      %run_scoped3A = tpu.sem_alloc : memref<!tpu.dma_semaphore, #tpu.memory_space<semaphore_mem>>
      %dma_start3A = arith.constant 0 : i32
      %dma_start3A_99 = tpu.memref_slice %arg13[%add3A_59, %dma_start3A] : memref<10000x128xf32, #tpu.memory_space<vmem_shared>> -> memref<40x128xf32, #tpu.memory_space<vmem_shared>>
      %dma_start3A_100 = arith.constant 0 : i32
      %dma_start3A_101 = tpu.memref_slice %arg13[%add3A_59, %dma_start3A_100] : memref<10000x128xf32, #tpu.memory_space<vmem_shared>> -> memref<40x128xf32, #tpu.memory_space<vmem_shared>>
      tpu.enqueue_dma source(%arg9 : memref<40x128xf32, #tpu.memory_space<vmem>>) target(%dma_start3A_101 : memref<40x128xf32, #tpu.memory_space<vmem_shared>>) target_semaphore(%run_scoped3A : memref<!tpu.dma_semaphore, #tpu.memory_space<semaphore_mem>>)
      %dma_wait3A_102 = arith.constant 0 : i32
      %dma_wait3A_103 = tpu.memref_slice %arg13[%add3A_59, %dma_wait3A_102] : memref<10000x128xf32, #tpu.memory_space<vmem_shared>> -> memref<40x128xf32, #tpu.memory_space<vmem_shared>>
      %dma_wait3A_104 = arith.constant 0 : i32
      %dma_wait3A_105 = tpu.memref_slice %arg13[%add3A_59, %dma_wait3A_104] : memref<10000x128xf32, #tpu.memory_space<vmem_shared>> -> memref<40x128xf32, #tpu.memory_space<vmem_shared>>
      tpu.wait_dma2 semaphore(%run_scoped3A : memref<!tpu.dma_semaphore, #tpu.memory_space<semaphore_mem>>) src(%arg9 : memref<40x128xf32, #tpu.memory_space<vmem>>) dst(%dma_wait3A_105 : memref<40x128xf32, #tpu.memory_space<vmem_shared>>)
      tpu.yield
    }) : () -> ()
    %mul3A_60 = arith.constant 624 : i32
    %mul3A_61 = arith.muli %arg1, %mul3A_60 : i32
    %add3A_62 = arith.constant 520 : i32
    %add3A_63 = arith.addi %mul3A_61, %add3A_62 : i32
    "tpu.region"() ({
      %run_scoped3A = tpu.sem_alloc : memref<!tpu.dma_semaphore, #tpu.memory_space<semaphore_mem>>
      %dma_start3A = arith.constant 0 : i32
      %dma_start3A_99 = tpu.memref_slice %arg13[%add3A_63, %dma_start3A] : memref<10000x128xf32, #tpu.memory_space<vmem_shared>> -> memref<40x128xf32, #tpu.memory_space<vmem_shared>>
      %dma_start3A_100 = arith.constant 0 : i32
      %dma_start3A_101 = tpu.memref_slice %arg13[%add3A_63, %dma_start3A_100] : memref<10000x128xf32, #tpu.memory_space<vmem_shared>> -> memref<40x128xf32, #tpu.memory_space<vmem_shared>>
      tpu.enqueue_dma source(%arg9 : memref<40x128xf32, #tpu.memory_space<vmem>>) target(%dma_start3A_101 : memref<40x128xf32, #tpu.memory_space<vmem_shared>>) target_semaphore(%run_scoped3A : memref<!tpu.dma_semaphore, #tpu.memory_space<semaphore_mem>>)
      %dma_wait3A_102 = arith.constant 0 : i32
      %dma_wait3A_103 = tpu.memref_slice %arg13[%add3A_63, %dma_wait3A_102] : memref<10000x128xf32, #tpu.memory_space<vmem_shared>> -> memref<40x128xf32, #tpu.memory_space<vmem_shared>>
      %dma_wait3A_104 = arith.constant 0 : i32
      %dma_wait3A_105 = tpu.memref_slice %arg13[%add3A_63, %dma_wait3A_104] : memref<10000x128xf32, #tpu.memory_space<vmem_shared>> -> memref<40x128xf32, #tpu.memory_space<vmem_shared>>
      tpu.wait_dma2 semaphore(%run_scoped3A : memref<!tpu.dma_semaphore, #tpu.memory_space<semaphore_mem>>) src(%arg9 : memref<40x128xf32, #tpu.memory_space<vmem>>) dst(%dma_wait3A_105 : memref<40x128xf32, #tpu.memory_space<vmem_shared>>)
      tpu.yield
    }) : () -> ()
    %mul3A_64 = arith.constant 624 : i32
    %mul3A_65 = arith.muli %arg1, %mul3A_64 : i32
    %add3A_66 = arith.constant 560 : i32
    %add3A_67 = arith.addi %mul3A_65, %add3A_66 : i32
    "tpu.region"() ({
      %run_scoped3A = tpu.sem_alloc : memref<!tpu.dma_semaphore, #tpu.memory_space<semaphore_mem>>
      %dma_start3A = arith.constant 0 : i32
      %dma_start3A_99 = tpu.memref_slice %arg13[%add3A_67, %dma_start3A] : memref<10000x128xf32, #tpu.memory_space<vmem_shared>> -> memref<40x128xf32, #tpu.memory_space<vmem_shared>>
      %dma_start3A_100 = arith.constant 0 : i32
      %dma_start3A_101 = tpu.memref_slice %arg13[%add3A_67, %dma_start3A_100] : memref<10000x128xf32, #tpu.memory_space<vmem_shared>> -> memref<40x128xf32, #tpu.memory_space<vmem_shared>>
      tpu.enqueue_dma source(%arg9 : memref<40x128xf32, #tpu.memory_space<vmem>>) target(%dma_start3A_101 : memref<40x128xf32, #tpu.memory_space<vmem_shared>>) target_semaphore(%run_scoped3A : memref<!tpu.dma_semaphore, #tpu.memory_space<semaphore_mem>>)
      %dma_wait3A_102 = arith.constant 0 : i32
      %dma_wait3A_103 = tpu.memref_slice %arg13[%add3A_67, %dma_wait3A_102] : memref<10000x128xf32, #tpu.memory_space<vmem_shared>> -> memref<40x128xf32, #tpu.memory_space<vmem_shared>>
      %dma_wait3A_104 = arith.constant 0 : i32
      %dma_wait3A_105 = tpu.memref_slice %arg13[%add3A_67, %dma_wait3A_104] : memref<10000x128xf32, #tpu.memory_space<vmem_shared>> -> memref<40x128xf32, #tpu.memory_space<vmem_shared>>
      tpu.wait_dma2 semaphore(%run_scoped3A : memref<!tpu.dma_semaphore, #tpu.memory_space<semaphore_mem>>) src(%arg9 : memref<40x128xf32, #tpu.memory_space<vmem>>) dst(%dma_wait3A_105 : memref<40x128xf32, #tpu.memory_space<vmem_shared>>)
      tpu.yield
    }) : () -> ()
    %mul3A_68 = arith.constant 624 : i32
    %mul3A_69 = arith.muli %arg1, %mul3A_68 : i32
    %add3A_70 = arith.constant 600 : i32
    %add3A_71 = arith.addi %mul3A_69, %add3A_70 : i32
    "tpu.region"() ({
      %run_scoped3A = tpu.sem_alloc : memref<!tpu.dma_semaphore, #tpu.memory_space<semaphore_mem>>
      %dma_start3A = arith.constant 0 : i32
      %dma_start3A_99 = arith.constant 0 : i32
      %dma_start3A_100 = tpu.memref_slice %arg9[%dma_start3A, %dma_start3A_99] : memref<40x128xf32, #tpu.memory_space<vmem>> -> memref<24x128xf32, #tpu.memory_space<vmem>>
      %dma_start3A_101 = arith.constant 0 : i32
      %dma_start3A_102 = tpu.memref_slice %arg13[%add3A_71, %dma_start3A_101] : memref<10000x128xf32, #tpu.memory_space<vmem_shared>> -> memref<24x128xf32, #tpu.memory_space<vmem_shared>>
      %dma_start3A_103 = arith.constant 0 : i32
      %dma_start3A_104 = tpu.memref_slice %arg13[%add3A_71, %dma_start3A_103] : memref<10000x128xf32, #tpu.memory_space<vmem_shared>> -> memref<24x128xf32, #tpu.memory_space<vmem_shared>>
      %dma_start3A_105 = arith.constant 0 : i32
      %dma_start3A_106 = arith.constant 0 : i32
      %dma_start3A_107 = tpu.memref_slice %arg9[%dma_start3A_105, %dma_start3A_106] : memref<40x128xf32, #tpu.memory_space<vmem>> -> memref<24x128xf32, #tpu.memory_space<vmem>>
      tpu.enqueue_dma source(%dma_start3A_107 : memref<24x128xf32, #tpu.memory_space<vmem>>) target(%dma_start3A_104 : memref<24x128xf32, #tpu.memory_space<vmem_shared>>) target_semaphore(%run_scoped3A : memref<!tpu.dma_semaphore, #tpu.memory_space<semaphore_mem>>)
      %dma_wait3A_108 = arith.constant 0 : i32
      %dma_wait3A_109 = arith.constant 0 : i32
      %dma_wait3A_110 = tpu.memref_slice %arg9[%dma_wait3A_108, %dma_wait3A_109] : memref<40x128xf32, #tpu.memory_space<vmem>> -> memref<24x128xf32, #tpu.memory_space<vmem>>
      %dma_wait3A_111 = arith.constant 0 : i32
      %dma_wait3A_112 = tpu.memref_slice %arg13[%add3A_71, %dma_wait3A_111] : memref<10000x128xf32, #tpu.memory_space<vmem_shared>> -> memref<24x128xf32, #tpu.memory_space<vmem_shared>>
      %dma_wait3A_113 = arith.constant 0 : i32
      %dma_wait3A_114 = tpu.memref_slice %arg13[%add3A_71, %dma_wait3A_113] : memref<10000x128xf32, #tpu.memory_space<vmem_shared>> -> memref<24x128xf32, #tpu.memory_space<vmem_shared>>
      %dma_wait3A_115 = arith.constant 0 : i32
      %dma_wait3A_116 = arith.constant 0 : i32
      %dma_wait3A_117 = tpu.memref_slice %arg9[%dma_wait3A_115, %dma_wait3A_116] : memref<40x128xf32, #tpu.memory_space<vmem>> -> memref<24x128xf32, #tpu.memory_space<vmem>>
      tpu.wait_dma2 semaphore(%run_scoped3A : memref<!tpu.dma_semaphore, #tpu.memory_space<semaphore_mem>>) src(%dma_wait3A_117 : memref<24x128xf32, #tpu.memory_space<vmem>>) dst(%dma_wait3A_114 : memref<24x128xf32, #tpu.memory_space<vmem_shared>>)
      tpu.yield
    }) : () -> ()
    %eq3A_72 = arith.constant 0 : i32
    %eq3A_73 = arith.cmpi eq, %arg1, %eq3A_72 : i32
    %convert_element_type3A_74 = arith.extui %eq3A_73 : i1 to i32
    %cond3A_75 = arith.constant 0 : i32
    %cond3A_76 = arith.cmpi ne, %convert_element_type3A_74, %cond3A_75 : i32
    scf.if %cond3A_76 {
      "tpu.region"() ({
        %run_scoped3A = tpu.sem_alloc : memref<!tpu.dma_semaphore, #tpu.memory_space<semaphore_mem>>
        %dma_start3A = arith.constant 0 : i32
        %dma_start3A_99 = arith.constant 0 : i32
        %dma_start3A_100 = tpu.memref_slice %arg9[%dma_start3A, %dma_start3A_99] : memref<40x128xf32, #tpu.memory_space<vmem>> -> memref<16x128xf32, #tpu.memory_space<vmem>>
        %dma_start3A_101 = arith.constant 9984 : i32
        %dma_start3A_102 = arith.constant 0 : i32
        %dma_start3A_103 = tpu.memref_slice %arg13[%dma_start3A_101, %dma_start3A_102] : memref<10000x128xf32, #tpu.memory_space<vmem_shared>> -> memref<16x128xf32, #tpu.memory_space<vmem_shared>>
        %dma_start3A_104 = arith.constant 9984 : i32
        %dma_start3A_105 = arith.constant 0 : i32
        %dma_start3A_106 = tpu.memref_slice %arg13[%dma_start3A_104, %dma_start3A_105] : memref<10000x128xf32, #tpu.memory_space<vmem_shared>> -> memref<16x128xf32, #tpu.memory_space<vmem_shared>>
        %dma_start3A_107 = arith.constant 0 : i32
        %dma_start3A_108 = arith.constant 0 : i32
        %dma_start3A_109 = tpu.memref_slice %arg9[%dma_start3A_107, %dma_start3A_108] : memref<40x128xf32, #tpu.memory_space<vmem>> -> memref<16x128xf32, #tpu.memory_space<vmem>>
        tpu.enqueue_dma source(%dma_start3A_109 : memref<16x128xf32, #tpu.memory_space<vmem>>) target(%dma_start3A_106 : memref<16x128xf32, #tpu.memory_space<vmem_shared>>) target_semaphore(%run_scoped3A : memref<!tpu.dma_semaphore, #tpu.memory_space<semaphore_mem>>)
        %dma_wait3A_110 = arith.constant 0 : i32
        %dma_wait3A_111 = arith.constant 0 : i32
        %dma_wait3A_112 = tpu.memref_slice %arg9[%dma_wait3A_110, %dma_wait3A_111] : memref<40x128xf32, #tpu.memory_space<vmem>> -> memref<16x128xf32, #tpu.memory_space<vmem>>
        %dma_wait3A_113 = arith.constant 9984 : i32
        %dma_wait3A_114 = arith.constant 0 : i32
        %dma_wait3A_115 = tpu.memref_slice %arg13[%dma_wait3A_113, %dma_wait3A_114] : memref<10000x128xf32, #tpu.memory_space<vmem_shared>> -> memref<16x128xf32, #tpu.memory_space<vmem_shared>>
        %dma_wait3A_116 = arith.constant 9984 : i32
        %dma_wait3A_117 = arith.constant 0 : i32
        %dma_wait3A_118 = tpu.memref_slice %arg13[%dma_wait3A_116, %dma_wait3A_117] : memref<10000x128xf32, #tpu.memory_space<vmem_shared>> -> memref<16x128xf32, #tpu.memory_space<vmem_shared>>
        %dma_wait3A_119 = arith.constant 0 : i32
        %dma_wait3A_120 = arith.constant 0 : i32
        %dma_wait3A_121 = tpu.memref_slice %arg9[%dma_wait3A_119, %dma_wait3A_120] : memref<40x128xf32, #tpu.memory_space<vmem>> -> memref<16x128xf32, #tpu.memory_space<vmem>>
        tpu.wait_dma2 semaphore(%run_scoped3A : memref<!tpu.dma_semaphore, #tpu.memory_space<semaphore_mem>>) src(%dma_wait3A_121 : memref<16x128xf32, #tpu.memory_space<vmem>>) dst(%dma_wait3A_118 : memref<16x128xf32, #tpu.memory_space<vmem_shared>>)
        tpu.yield
      }) : () -> ()
    } else {
    }
    %barrier3A = arith.constant 0 : index
    tpu.barrier barrier_id(%barrier3A)
    %scan3A_77 = arith.constant 0 : i32
    %scan3A_78 = arith.constant 0 : i32
    %scan3A_79 = arith.constant 5 : i32
    %scan3A_80 = arith.addi %scan3A_78, %scan3A_79 : i32
    %scan3A_81 = arith.constant 1 : i32
    scf.for %scan3A_99 = %scan3A_78 to %scan3A_80 step %scan3A_81  : i32 {
      %gt3A = arith.constant 0 : i32
      %gt3A_100 = arith.cmpi sgt, %scan3A_99, %gt3A : i32
      %convert_element_type3A_101 = arith.extui %gt3A_100 : i1 to i32
      %cond3A_102 = arith.constant 0 : i32
      %cond3A_103 = arith.cmpi ne, %convert_element_type3A_101, %cond3A_102 : i32
      scf.if %cond3A_103 {
        %dma_wait3A_127 = arith.constant 0 : i32
        %dma_wait3A_128 = arith.constant 0 : i32
        %dma_wait3A_129 = tpu.memref_slice %arg8[%dma_wait3A_127, %dma_wait3A_128] : memref<50x40xi32, #tpu.memory_space<vmem>> -> memref<1x40xi32, #tpu.memory_space<vmem>>
        %dma_wait3A_130 = tpu.memref_squeeze %dma_wait3A_129 : memref<1x40xi32, #tpu.memory_space<vmem>> -> memref<40xi32, #tpu.memory_space<vmem>>
        %dma_wait3A_131 = arith.constant 0 : i32
        %dma_wait3A_132 = arith.constant 0 : i32
        %dma_wait3A_133 = tpu.memref_slice %arg13[%dma_wait3A_131, %dma_wait3A_132] : memref<10000x128xf32, #tpu.memory_space<vmem_shared>> -> memref<10000x128xf32, #tpu.memory_space<vmem_shared>>
        tpu.wait_indirect_dma semaphore(%arg20 : memref<!tpu.dma_semaphore, #tpu.memory_space<semaphore_mem>>) src(%arg10 : memref<40x128xf32, #tpu.memory_space<vmem>>) dst(%dma_wait3A_133 : memref<10000x128xf32, #tpu.memory_space<vmem_shared>>)
      } else {
      }
      %mul3A_104 = arith.constant 50 : i32
      %mul3A_105 = arith.muli %scan3A_99, %mul3A_104 : i32
      "tpu.region"() ({
        %run_scoped3A = tpu.sem_alloc : memref<!tpu.dma_semaphore, #tpu.memory_space<semaphore_mem>>
        %dma_start3A_127 = arith.constant 0 : i32
        %dma_start3A_128 = arith.constant 0 : i32
        %dma_start3A_129 = tpu.memref_slice %arg3[%add3A, %mul3A_105, %dma_start3A_127, %dma_start3A_128] : memref<32x250x2x40xi32, #tpu.memory_space<hbm>> -> memref<1x50x2x40xi32, #tpu.memory_space<hbm>>
        %dma_start3A_130 = tpu.memref_squeeze %dma_start3A_129 : memref<1x50x2x40xi32, #tpu.memory_space<hbm>> -> memref<50x2x40xi32, #tpu.memory_space<hbm>>
        %dma_start3A_131 = arith.constant 0 : i32
        %dma_start3A_132 = arith.constant 0 : i32
        %dma_start3A_133 = tpu.memref_slice %arg3[%add3A, %mul3A_105, %dma_start3A_131, %dma_start3A_132] : memref<32x250x2x40xi32, #tpu.memory_space<hbm>> -> memref<1x50x2x40xi32, #tpu.memory_space<hbm>>
        %dma_start3A_134 = tpu.memref_squeeze %dma_start3A_133 : memref<1x50x2x40xi32, #tpu.memory_space<hbm>> -> memref<50x2x40xi32, #tpu.memory_space<hbm>>
        tpu.enqueue_dma source(%dma_start3A_134 : memref<50x2x40xi32, #tpu.memory_space<hbm>>) target(%arg7 : memref<50x2x40xi32, #tpu.memory_space<vmem>>) target_semaphore(%run_scoped3A : memref<!tpu.dma_semaphore, #tpu.memory_space<semaphore_mem>>)
        %dma_wait3A_135 = arith.constant 0 : i32
        %dma_wait3A_136 = arith.constant 0 : i32
        %dma_wait3A_137 = tpu.memref_slice %arg3[%add3A, %mul3A_105, %dma_wait3A_135, %dma_wait3A_136] : memref<32x250x2x40xi32, #tpu.memory_space<hbm>> -> memref<1x50x2x40xi32, #tpu.memory_space<hbm>>
        %dma_wait3A_138 = tpu.memref_squeeze %dma_wait3A_137 : memref<1x50x2x40xi32, #tpu.memory_space<hbm>> -> memref<50x2x40xi32, #tpu.memory_space<hbm>>
        %dma_wait3A_139 = arith.constant 0 : i32
        %dma_wait3A_140 = arith.constant 0 : i32
        %dma_wait3A_141 = tpu.memref_slice %arg3[%add3A, %mul3A_105, %dma_wait3A_139, %dma_wait3A_140] : memref<32x250x2x40xi32, #tpu.memory_space<hbm>> -> memref<1x50x2x40xi32, #tpu.memory_space<hbm>>
        %dma_wait3A_142 = tpu.memref_squeeze %dma_wait3A_141 : memref<1x50x2x40xi32, #tpu.memory_space<hbm>> -> memref<50x2x40xi32, #tpu.memory_space<hbm>>
        tpu.wait_dma2 semaphore(%run_scoped3A : memref<!tpu.dma_semaphore, #tpu.memory_space<semaphore_mem>>) src(%dma_wait3A_142 : memref<50x2x40xi32, #tpu.memory_space<hbm>>) dst(%arg7 : memref<50x2x40xi32, #tpu.memory_space<vmem>>)
        tpu.yield
      }) : () -> ()
      "tpu.region"() ({
        %run_scoped3A = tpu.sem_alloc : memref<!tpu.dma_semaphore, #tpu.memory_space<semaphore_mem>>
        %dma_start3A_127 = arith.constant 0 : i32
        %dma_start3A_128 = arith.constant 0 : i32
        %dma_start3A_129 = tpu.memref_slice %arg4[%add3A, %scan3A_99, %dma_start3A_127, %dma_start3A_128] : memref<32x5x50x40xi32, #tpu.memory_space<hbm>> -> memref<1x1x50x40xi32, #tpu.memory_space<hbm>>
        %dma_start3A_130 = tpu.memref_squeeze %dma_start3A_129 : memref<1x1x50x40xi32, #tpu.memory_space<hbm>> -> memref<50x40xi32, #tpu.memory_space<hbm>>
        %dma_start3A_131 = arith.constant 0 : i32
        %dma_start3A_132 = arith.constant 0 : i32
        %dma_start3A_133 = tpu.memref_slice %arg4[%add3A, %scan3A_99, %dma_start3A_131, %dma_start3A_132] : memref<32x5x50x40xi32, #tpu.memory_space<hbm>> -> memref<1x1x50x40xi32, #tpu.memory_space<hbm>>
        %dma_start3A_134 = tpu.memref_squeeze %dma_start3A_133 : memref<1x1x50x40xi32, #tpu.memory_space<hbm>> -> memref<50x40xi32, #tpu.memory_space<hbm>>
        tpu.enqueue_dma source(%dma_start3A_134 : memref<50x40xi32, #tpu.memory_space<hbm>>) target(%arg8 : memref<50x40xi32, #tpu.memory_space<vmem>>) target_semaphore(%run_scoped3A : memref<!tpu.dma_semaphore, #tpu.memory_space<semaphore_mem>>)
        %dma_wait3A_135 = arith.constant 0 : i32
        %dma_wait3A_136 = arith.constant 0 : i32
        %dma_wait3A_137 = tpu.memref_slice %arg4[%add3A, %scan3A_99, %dma_wait3A_135, %dma_wait3A_136] : memref<32x5x50x40xi32, #tpu.memory_space<hbm>> -> memref<1x1x50x40xi32, #tpu.memory_space<hbm>>
        %dma_wait3A_138 = tpu.memref_squeeze %dma_wait3A_137 : memref<1x1x50x40xi32, #tpu.memory_space<hbm>> -> memref<50x40xi32, #tpu.memory_space<hbm>>
        %dma_wait3A_139 = arith.constant 0 : i32
        %dma_wait3A_140 = arith.constant 0 : i32
        %dma_wait3A_141 = tpu.memref_slice %arg4[%add3A, %scan3A_99, %dma_wait3A_139, %dma_wait3A_140] : memref<32x5x50x40xi32, #tpu.memory_space<hbm>> -> memref<1x1x50x40xi32, #tpu.memory_space<hbm>>
        %dma_wait3A_142 = tpu.memref_squeeze %dma_wait3A_141 : memref<1x1x50x40xi32, #tpu.memory_space<hbm>> -> memref<50x40xi32, #tpu.memory_space<hbm>>
        tpu.wait_dma2 semaphore(%run_scoped3A : memref<!tpu.dma_semaphore, #tpu.memory_space<semaphore_mem>>) src(%dma_wait3A_142 : memref<50x40xi32, #tpu.memory_space<hbm>>) dst(%arg8 : memref<50x40xi32, #tpu.memory_space<vmem>>)
        tpu.yield
      }) : () -> ()
      %dma_start3A = arith.constant 0 : i32
      %dma_start3A_106 = arith.constant 0 : i32
      %dma_start3A_107 = arith.constant 0 : i32
      %dma_start3A_108 = tpu.memref_slice %arg7[%dma_start3A, %dma_start3A_106, %dma_start3A_107] : memref<50x2x40xi32, #tpu.memory_space<vmem>> -> memref<1x1x40xi32, #tpu.memory_space<vmem>>
      %dma_start3A_109 = tpu.memref_squeeze %dma_start3A_108 : memref<1x1x40xi32, #tpu.memory_space<vmem>> -> memref<40xi32, #tpu.memory_space<vmem>>
      %dma_start3A_110 = arith.constant 0 : i32
      %dma_start3A_111 = arith.constant 0 : i32
      %dma_start3A_112 = tpu.memref_slice %arg2[%dma_start3A_110, %dma_start3A_111] : memref<10000x128xf32, #tpu.memory_space<hbm>> -> memref<10000x128xf32, #tpu.memory_space<hbm>>
      tpu.enqueue_indirect_dma source(%dma_start3A_112 : memref<10000x128xf32, #tpu.memory_space<hbm>>) target(%arg9 : memref<40x128xf32, #tpu.memory_space<vmem>>) offsets(%dma_start3A_109 : memref<40xi32, #tpu.memory_space<vmem>>) semaphore(%arg15 : memref<!tpu.dma_semaphore, #tpu.memory_space<semaphore_mem>>)
      %dma_start3A_113 = arith.constant 0 : i32
      %dma_start3A_114 = arith.constant 1 : i32
      %dma_start3A_115 = arith.constant 0 : i32
      %dma_start3A_116 = tpu.memref_slice %arg7[%dma_start3A_113, %dma_start3A_114, %dma_start3A_115] : memref<50x2x40xi32, #tpu.memory_space<vmem>> -> memref<1x1x40xi32, #tpu.memory_space<vmem>>
      %dma_start3A_117 = tpu.memref_squeeze %dma_start3A_116 : memref<1x1x40xi32, #tpu.memory_space<vmem>> -> memref<40xi32, #tpu.memory_space<vmem>>
      %dma_start3A_118 = arith.constant 0 : i32
      %dma_start3A_119 = arith.constant 0 : i32
      %dma_start3A_120 = tpu.memref_slice %arg14[%dma_start3A_118, %dma_start3A_119] : memref<512x128xf32, #tpu.memory_space<vmem_shared>> -> memref<512x128xf32, #tpu.memory_space<vmem_shared>>
      tpu.enqueue_indirect_dma source(%dma_start3A_120 : memref<512x128xf32, #tpu.memory_space<vmem_shared>>) target(%arg11 : memref<40x128xf32, #tpu.memory_space<vmem>>) offsets(%dma_start3A_117 : memref<40xi32, #tpu.memory_space<vmem>>) semaphore(%arg17 : memref<!tpu.dma_semaphore, #tpu.memory_space<semaphore_mem>>)
      %scan3A_121 = arith.constant 0 : i32
      %scan3A_122 = arith.constant 0 : i32
      %scan3A_123 = arith.constant 25 : i32
      %scan3A_124 = arith.addi %scan3A_122, %scan3A_123 : i32
      %scan3A_125 = arith.constant 1 : i32
      scf.for %scan3A_127 = %scan3A_122 to %scan3A_124 step %scan3A_125  : i32 {
        %mul3A_128 = arith.constant 2 : i32
        %mul3A_129 = arith.muli %mul3A_128, %scan3A_127 : i32
        %gt3A_130 = arith.constant 0 : i32
        %gt3A_131 = arith.cmpi sgt, %scan3A_127, %gt3A_130 : i32
        %convert_element_type3A_132 = arith.extui %gt3A_131 : i1 to i32
        %cond3A_133 = arith.constant 0 : i32
        %cond3A_134 = arith.cmpi ne, %convert_element_type3A_132, %cond3A_133 : i32
        scf.if %cond3A_134 {
          %dma_wait3A_213 = arith.constant 0 : i32
          %dma_wait3A_214 = arith.constant 0 : i32
          %dma_wait3A_215 = tpu.memref_slice %arg8[%dma_wait3A_213, %dma_wait3A_214] : memref<50x40xi32, #tpu.memory_space<vmem>> -> memref<1x40xi32, #tpu.memory_space<vmem>>
          %dma_wait3A_216 = tpu.memref_squeeze %dma_wait3A_215 : memref<1x40xi32, #tpu.memory_space<vmem>> -> memref<40xi32, #tpu.memory_space<vmem>>
          %dma_wait3A_217 = arith.constant 0 : i32
          %dma_wait3A_218 = arith.constant 0 : i32
          %dma_wait3A_219 = tpu.memref_slice %arg13[%dma_wait3A_217, %dma_wait3A_218] : memref<10000x128xf32, #tpu.memory_space<vmem_shared>> -> memref<10000x128xf32, #tpu.memory_space<vmem_shared>>
          tpu.wait_indirect_dma semaphore(%arg20 : memref<!tpu.dma_semaphore, #tpu.memory_space<semaphore_mem>>) src(%arg10 : memref<40x128xf32, #tpu.memory_space<vmem>>) dst(%dma_wait3A_219 : memref<10000x128xf32, #tpu.memory_space<vmem_shared>>)
        } else {
        }
        %add3A_135 = arith.constant 1 : i32
        %add3A_136 = arith.addi %mul3A_129, %add3A_135 : i32
        %dma_start3A_137 = arith.constant 0 : i32
        %dma_start3A_138 = arith.constant 0 : i32
        %dma_start3A_139 = tpu.memref_slice %arg7[%add3A_136, %dma_start3A_137, %dma_start3A_138] : memref<50x2x40xi32, #tpu.memory_space<vmem>> -> memref<1x1x40xi32, #tpu.memory_space<vmem>>
        %dma_start3A_140 = tpu.memref_squeeze %dma_start3A_139 : memref<1x1x40xi32, #tpu.memory_space<vmem>> -> memref<40xi32, #tpu.memory_space<vmem>>
        %dma_start3A_141 = arith.constant 0 : i32
        %dma_start3A_142 = arith.constant 0 : i32
        %dma_start3A_143 = tpu.memref_slice %arg2[%dma_start3A_141, %dma_start3A_142] : memref<10000x128xf32, #tpu.memory_space<hbm>> -> memref<10000x128xf32, #tpu.memory_space<hbm>>
        tpu.enqueue_indirect_dma source(%dma_start3A_143 : memref<10000x128xf32, #tpu.memory_space<hbm>>) target(%arg10 : memref<40x128xf32, #tpu.memory_space<vmem>>) offsets(%dma_start3A_140 : memref<40xi32, #tpu.memory_space<vmem>>) semaphore(%arg16 : memref<!tpu.dma_semaphore, #tpu.memory_space<semaphore_mem>>)
        %dma_start3A_144 = arith.constant 1 : i32
        %dma_start3A_145 = arith.constant 0 : i32
        %dma_start3A_146 = tpu.memref_slice %arg7[%add3A_136, %dma_start3A_144, %dma_start3A_145] : memref<50x2x40xi32, #tpu.memory_space<vmem>> -> memref<1x1x40xi32, #tpu.memory_space<vmem>>
        %dma_start3A_147 = tpu.memref_squeeze %dma_start3A_146 : memref<1x1x40xi32, #tpu.memory_space<vmem>> -> memref<40xi32, #tpu.memory_space<vmem>>
        %dma_start3A_148 = arith.constant 0 : i32
        %dma_start3A_149 = arith.constant 0 : i32
        %dma_start3A_150 = tpu.memref_slice %arg14[%dma_start3A_148, %dma_start3A_149] : memref<512x128xf32, #tpu.memory_space<vmem_shared>> -> memref<512x128xf32, #tpu.memory_space<vmem_shared>>
        tpu.enqueue_indirect_dma source(%dma_start3A_150 : memref<512x128xf32, #tpu.memory_space<vmem_shared>>) target(%arg12 : memref<40x128xf32, #tpu.memory_space<vmem>>) offsets(%dma_start3A_147 : memref<40xi32, #tpu.memory_space<vmem>>) semaphore(%arg18 : memref<!tpu.dma_semaphore, #tpu.memory_space<semaphore_mem>>)
        %dma_wait3A_151 = arith.constant 0 : i32
        %dma_wait3A_152 = arith.constant 0 : i32
        %dma_wait3A_153 = tpu.memref_slice %arg7[%mul3A_129, %dma_wait3A_151, %dma_wait3A_152] : memref<50x2x40xi32, #tpu.memory_space<vmem>> -> memref<1x1x40xi32, #tpu.memory_space<vmem>>
        %dma_wait3A_154 = tpu.memref_squeeze %dma_wait3A_153 : memref<1x1x40xi32, #tpu.memory_space<vmem>> -> memref<40xi32, #tpu.memory_space<vmem>>
        %dma_wait3A_155 = arith.constant 0 : i32
        %dma_wait3A_156 = arith.constant 0 : i32
        %dma_wait3A_157 = tpu.memref_slice %arg2[%dma_wait3A_155, %dma_wait3A_156] : memref<10000x128xf32, #tpu.memory_space<hbm>> -> memref<10000x128xf32, #tpu.memory_space<hbm>>
        tpu.wait_indirect_dma semaphore(%arg15 : memref<!tpu.dma_semaphore, #tpu.memory_space<semaphore_mem>>) src(%dma_wait3A_157 : memref<10000x128xf32, #tpu.memory_space<hbm>>) dst(%arg9 : memref<40x128xf32, #tpu.memory_space<vmem>>)
        %dma_wait3A_158 = arith.constant 1 : i32
        %dma_wait3A_159 = arith.constant 0 : i32
        %dma_wait3A_160 = tpu.memref_slice %arg7[%mul3A_129, %dma_wait3A_158, %dma_wait3A_159] : memref<50x2x40xi32, #tpu.memory_space<vmem>> -> memref<1x1x40xi32, #tpu.memory_space<vmem>>
        %dma_wait3A_161 = tpu.memref_squeeze %dma_wait3A_160 : memref<1x1x40xi32, #tpu.memory_space<vmem>> -> memref<40xi32, #tpu.memory_space<vmem>>
        %dma_wait3A_162 = arith.constant 0 : i32
        %dma_wait3A_163 = arith.constant 0 : i32
        %dma_wait3A_164 = tpu.memref_slice %arg14[%dma_wait3A_162, %dma_wait3A_163] : memref<512x128xf32, #tpu.memory_space<vmem_shared>> -> memref<512x128xf32, #tpu.memory_space<vmem_shared>>
        tpu.wait_indirect_dma semaphore(%arg17 : memref<!tpu.dma_semaphore, #tpu.memory_space<semaphore_mem>>) src(%dma_wait3A_164 : memref<512x128xf32, #tpu.memory_space<vmem_shared>>) dst(%arg11 : memref<40x128xf32, #tpu.memory_space<vmem>>)
        %parallel_loop3A = arith.constant 0 : i32
        %parallel_loop3A_165 = arith.constant 40 : i32
        %parallel_loop3A_166 = arith.constant 1 : i32
        scf.for %parallel_loop3A_213 = %parallel_loop3A to %parallel_loop3A_165 step %parallel_loop3A_166  : i32 {
          %parallel_loop3A_214 = arith.index_cast %parallel_loop3A_213 : i32 to index
          %parallel_loop3A_215 = arith.constant 0 : index
          %parallel_loop3A_216 = tpu.vector_load %arg9[%parallel_loop3A_214, %parallel_loop3A_215] {strides = array<i32>} : memref<40x128xf32, #tpu.memory_space<vmem>>, vector<1x16xf32>,
          %parallel_loop3A_217 = vector.shape_cast %parallel_loop3A_216 : vector<1x16xf32> to vector<16xf32>
          %parallel_loop3A_218 = arith.index_cast %parallel_loop3A_213 : i32 to index
          %parallel_loop3A_219 = arith.constant 0 : index
          %parallel_loop3A_220 = tpu.vector_load %arg11[%parallel_loop3A_218, %parallel_loop3A_219] {strides = array<i32>} : memref<40x128xf32, #tpu.memory_space<vmem>>, vector<1x16xf32>,
          %parallel_loop3A_221 = vector.shape_cast %parallel_loop3A_220 : vector<1x16xf32> to vector<16xf32>
          %parallel_loop3A_222 = arith.addf %parallel_loop3A_217, %parallel_loop3A_221 : vector<16xf32>
          %parallel_loop3A_223 = arith.constant 0.000000e+00 : f32
          %parallel_loop3A_224 = vector.broadcast %parallel_loop3A_223 : f32 to vector<16xf32>
          %parallel_loop3A_225 = arith.maximumf %parallel_loop3A_222, %parallel_loop3A_224 : vector<16xf32>
          %parallel_loop3A_226 = arith.index_cast %parallel_loop3A_213 : i32 to index
          %parallel_loop3A_227 = arith.constant 0 : index
          %parallel_loop3A_228 = tpu.vector_load %arg9[%parallel_loop3A_226, %parallel_loop3A_227] {strides = array<i32>} : memref<40x128xf32, #tpu.memory_space<vmem>>, vector<1x16xf32>,
          %parallel_loop3A_229 = vector.shape_cast %parallel_loop3A_228 : vector<1x16xf32> to vector<16xf32>
          %parallel_loop3A_230 = vector.shape_cast %parallel_loop3A_225 : vector<16xf32> to vector<1x16xf32>
          tpu.vector_store %arg9[%parallel_loop3A_226, %parallel_loop3A_227], %parallel_loop3A_230 {strides = array<i32>} : memref<40x128xf32, #tpu.memory_space<vmem>>, vector<1x16xf32>,
          %parallel_loop3A_231 = arith.index_cast %parallel_loop3A_213 : i32 to index
          %parallel_loop3A_232 = arith.constant 16 : index
          %parallel_loop3A_233 = tpu.vector_load %arg9[%parallel_loop3A_231, %parallel_loop3A_232] {strides = array<i32>} : memref<40x128xf32, #tpu.memory_space<vmem>>, vector<1x16xf32>,
          %parallel_loop3A_234 = vector.shape_cast %parallel_loop3A_233 : vector<1x16xf32> to vector<16xf32>
          %parallel_loop3A_235 = arith.index_cast %parallel_loop3A_213 : i32 to index
          %parallel_loop3A_236 = arith.constant 16 : index
          %parallel_loop3A_237 = tpu.vector_load %arg11[%parallel_loop3A_235, %parallel_loop3A_236] {strides = array<i32>} : memref<40x128xf32, #tpu.memory_space<vmem>>, vector<1x16xf32>,
          %parallel_loop3A_238 = vector.shape_cast %parallel_loop3A_237 : vector<1x16xf32> to vector<16xf32>
          %parallel_loop3A_239 = arith.addf %parallel_loop3A_234, %parallel_loop3A_238 : vector<16xf32>
          %parallel_loop3A_240 = arith.constant 0.000000e+00 : f32
          %parallel_loop3A_241 = vector.broadcast %parallel_loop3A_240 : f32 to vector<16xf32>
          %parallel_loop3A_242 = arith.maximumf %parallel_loop3A_239, %parallel_loop3A_241 : vector<16xf32>
          %parallel_loop3A_243 = arith.index_cast %parallel_loop3A_213 : i32 to index
          %parallel_loop3A_244 = arith.constant 16 : index
          %parallel_loop3A_245 = tpu.vector_load %arg9[%parallel_loop3A_243, %parallel_loop3A_244] {strides = array<i32>} : memref<40x128xf32, #tpu.memory_space<vmem>>, vector<1x16xf32>,
          %parallel_loop3A_246 = vector.shape_cast %parallel_loop3A_245 : vector<1x16xf32> to vector<16xf32>
          %parallel_loop3A_247 = vector.shape_cast %parallel_loop3A_242 : vector<16xf32> to vector<1x16xf32>
          tpu.vector_store %arg9[%parallel_loop3A_243, %parallel_loop3A_244], %parallel_loop3A_247 {strides = array<i32>} : memref<40x128xf32, #tpu.memory_space<vmem>>, vector<1x16xf32>,
          %parallel_loop3A_248 = arith.index_cast %parallel_loop3A_213 : i32 to index
          %parallel_loop3A_249 = arith.constant 32 : index
          %parallel_loop3A_250 = tpu.vector_load %arg9[%parallel_loop3A_248, %parallel_loop3A_249] {strides = array<i32>} : memref<40x128xf32, #tpu.memory_space<vmem>>, vector<1x16xf32>,
          %parallel_loop3A_251 = vector.shape_cast %parallel_loop3A_250 : vector<1x16xf32> to vector<16xf32>
          %parallel_loop3A_252 = arith.index_cast %parallel_loop3A_213 : i32 to index
          %parallel_loop3A_253 = arith.constant 32 : index
          %parallel_loop3A_254 = tpu.vector_load %arg11[%parallel_loop3A_252, %parallel_loop3A_253] {strides = array<i32>} : memref<40x128xf32, #tpu.memory_space<vmem>>, vector<1x16xf32>,
          %parallel_loop3A_255 = vector.shape_cast %parallel_loop3A_254 : vector<1x16xf32> to vector<16xf32>
          %parallel_loop3A_256 = arith.addf %parallel_loop3A_251, %parallel_loop3A_255 : vector<16xf32>
          %parallel_loop3A_257 = arith.constant 0.000000e+00 : f32
          %parallel_loop3A_258 = vector.broadcast %parallel_loop3A_257 : f32 to vector<16xf32>
          %parallel_loop3A_259 = arith.maximumf %parallel_loop3A_256, %parallel_loop3A_258 : vector<16xf32>
          %parallel_loop3A_260 = arith.index_cast %parallel_loop3A_213 : i32 to index
          %parallel_loop3A_261 = arith.constant 32 : index
          %parallel_loop3A_262 = tpu.vector_load %arg9[%parallel_loop3A_260, %parallel_loop3A_261] {strides = array<i32>} : memref<40x128xf32, #tpu.memory_space<vmem>>, vector<1x16xf32>,
          %parallel_loop3A_263 = vector.shape_cast %parallel_loop3A_262 : vector<1x16xf32> to vector<16xf32>
          %parallel_loop3A_264 = vector.shape_cast %parallel_loop3A_259 : vector<16xf32> to vector<1x16xf32>
          tpu.vector_store %arg9[%parallel_loop3A_260, %parallel_loop3A_261], %parallel_loop3A_264 {strides = array<i32>} : memref<40x128xf32, #tpu.memory_space<vmem>>, vector<1x16xf32>,
          %parallel_loop3A_265 = arith.index_cast %parallel_loop3A_213 : i32 to index
          %parallel_loop3A_266 = arith.constant 48 : index
          %parallel_loop3A_267 = tpu.vector_load %arg9[%parallel_loop3A_265, %parallel_loop3A_266] {strides = array<i32>} : memref<40x128xf32, #tpu.memory_space<vmem>>, vector<1x16xf32>,
          %parallel_loop3A_268 = vector.shape_cast %parallel_loop3A_267 : vector<1x16xf32> to vector<16xf32>
          %parallel_loop3A_269 = arith.index_cast %parallel_loop3A_213 : i32 to index
          %parallel_loop3A_270 = arith.constant 48 : index
          %parallel_loop3A_271 = tpu.vector_load %arg11[%parallel_loop3A_269, %parallel_loop3A_270] {strides = array<i32>} : memref<40x128xf32, #tpu.memory_space<vmem>>, vector<1x16xf32>,
          %parallel_loop3A_272 = vector.shape_cast %parallel_loop3A_271 : vector<1x16xf32> to vector<16xf32>
          %parallel_loop3A_273 = arith.addf %parallel_loop3A_268, %parallel_loop3A_272 : vector<16xf32>
          %parallel_loop3A_274 = arith.constant 0.000000e+00 : f32
          %parallel_loop3A_275 = vector.broadcast %parallel_loop3A_274 : f32 to vector<16xf32>
          %parallel_loop3A_276 = arith.maximumf %parallel_loop3A_273, %parallel_loop3A_275 : vector<16xf32>
          %parallel_loop3A_277 = arith.index_cast %parallel_loop3A_213 : i32 to index
          %parallel_loop3A_278 = arith.constant 48 : index
          %parallel_loop3A_279 = tpu.vector_load %arg9[%parallel_loop3A_277, %parallel_loop3A_278] {strides = array<i32>} : memref<40x128xf32, #tpu.memory_space<vmem>>, vector<1x16xf32>,
          %parallel_loop3A_280 = vector.shape_cast %parallel_loop3A_279 : vector<1x16xf32> to vector<16xf32>
          %parallel_loop3A_281 = vector.shape_cast %parallel_loop3A_276 : vector<16xf32> to vector<1x16xf32>
          tpu.vector_store %arg9[%parallel_loop3A_277, %parallel_loop3A_278], %parallel_loop3A_281 {strides = array<i32>} : memref<40x128xf32, #tpu.memory_space<vmem>>, vector<1x16xf32>,
          %parallel_loop3A_282 = arith.index_cast %parallel_loop3A_213 : i32 to index
          %parallel_loop3A_283 = arith.constant 64 : index
          %parallel_loop3A_284 = tpu.vector_load %arg9[%parallel_loop3A_282, %parallel_loop3A_283] {strides = array<i32>} : memref<40x128xf32, #tpu.memory_space<vmem>>, vector<1x16xf32>,
          %parallel_loop3A_285 = vector.shape_cast %parallel_loop3A_284 : vector<1x16xf32> to vector<16xf32>
          %parallel_loop3A_286 = arith.index_cast %parallel_loop3A_213 : i32 to index
          %parallel_loop3A_287 = arith.constant 64 : index
          %parallel_loop3A_288 = tpu.vector_load %arg11[%parallel_loop3A_286, %parallel_loop3A_287] {strides = array<i32>} : memref<40x128xf32, #tpu.memory_space<vmem>>, vector<1x16xf32>,
          %parallel_loop3A_289 = vector.shape_cast %parallel_loop3A_288 : vector<1x16xf32> to vector<16xf32>
          %parallel_loop3A_290 = arith.addf %parallel_loop3A_285, %parallel_loop3A_289 : vector<16xf32>
          %parallel_loop3A_291 = arith.constant 0.000000e+00 : f32
          %parallel_loop3A_292 = vector.broadcast %parallel_loop3A_291 : f32 to vector<16xf32>
          %parallel_loop3A_293 = arith.maximumf %parallel_loop3A_290, %parallel_loop3A_292 : vector<16xf32>
          %parallel_loop3A_294 = arith.index_cast %parallel_loop3A_213 : i32 to index
          %parallel_loop3A_295 = arith.constant 64 : index
          %parallel_loop3A_296 = tpu.vector_load %arg9[%parallel_loop3A_294, %parallel_loop3A_295] {strides = array<i32>} : memref<40x128xf32, #tpu.memory_space<vmem>>, vector<1x16xf32>,
          %parallel_loop3A_297 = vector.shape_cast %parallel_loop3A_296 : vector<1x16xf32> to vector<16xf32>
          %parallel_loop3A_298 = vector.shape_cast %parallel_loop3A_293 : vector<16xf32> to vector<1x16xf32>
          tpu.vector_store %arg9[%parallel_loop3A_294, %parallel_loop3A_295], %parallel_loop3A_298 {strides = array<i32>} : memref<40x128xf32, #tpu.memory_space<vmem>>, vector<1x16xf32>,
          %parallel_loop3A_299 = arith.index_cast %parallel_loop3A_213 : i32 to index
          %parallel_loop3A_300 = arith.constant 80 : index
          %parallel_loop3A_301 = tpu.vector_load %arg9[%parallel_loop3A_299, %parallel_loop3A_300] {strides = array<i32>} : memref<40x128xf32, #tpu.memory_space<vmem>>, vector<1x16xf32>,
          %parallel_loop3A_302 = vector.shape_cast %parallel_loop3A_301 : vector<1x16xf32> to vector<16xf32>
          %parallel_loop3A_303 = arith.index_cast %parallel_loop3A_213 : i32 to index
          %parallel_loop3A_304 = arith.constant 80 : index
          %parallel_loop3A_305 = tpu.vector_load %arg11[%parallel_loop3A_303, %parallel_loop3A_304] {strides = array<i32>} : memref<40x128xf32, #tpu.memory_space<vmem>>, vector<1x16xf32>,
          %parallel_loop3A_306 = vector.shape_cast %parallel_loop3A_305 : vector<1x16xf32> to vector<16xf32>
          %parallel_loop3A_307 = arith.addf %parallel_loop3A_302, %parallel_loop3A_306 : vector<16xf32>
          %parallel_loop3A_308 = arith.constant 0.000000e+00 : f32
          %parallel_loop3A_309 = vector.broadcast %parallel_loop3A_308 : f32 to vector<16xf32>
          %parallel_loop3A_310 = arith.maximumf %parallel_loop3A_307, %parallel_loop3A_309 : vector<16xf32>
          %parallel_loop3A_311 = arith.index_cast %parallel_loop3A_213 : i32 to index
          %parallel_loop3A_312 = arith.constant 80 : index
          %parallel_loop3A_313 = tpu.vector_load %arg9[%parallel_loop3A_311, %parallel_loop3A_312] {strides = array<i32>} : memref<40x128xf32, #tpu.memory_space<vmem>>, vector<1x16xf32>,
          %parallel_loop3A_314 = vector.shape_cast %parallel_loop3A_313 : vector<1x16xf32> to vector<16xf32>
          %parallel_loop3A_315 = vector.shape_cast %parallel_loop3A_310 : vector<16xf32> to vector<1x16xf32>
          tpu.vector_store %arg9[%parallel_loop3A_311, %parallel_loop3A_312], %parallel_loop3A_315 {strides = array<i32>} : memref<40x128xf32, #tpu.memory_space<vmem>>, vector<1x16xf32>,
          %parallel_loop3A_316 = arith.index_cast %parallel_loop3A_213 : i32 to index
          %parallel_loop3A_317 = arith.constant 96 : index
          %parallel_loop3A_318 = tpu.vector_load %arg9[%parallel_loop3A_316, %parallel_loop3A_317] {strides = array<i32>} : memref<40x128xf32, #tpu.memory_space<vmem>>, vector<1x16xf32>,
          %parallel_loop3A_319 = vector.shape_cast %parallel_loop3A_318 : vector<1x16xf32> to vector<16xf32>
          %parallel_loop3A_320 = arith.index_cast %parallel_loop3A_213 : i32 to index
          %parallel_loop3A_321 = arith.constant 96 : index
          %parallel_loop3A_322 = tpu.vector_load %arg11[%parallel_loop3A_320, %parallel_loop3A_321] {strides = array<i32>} : memref<40x128xf32, #tpu.memory_space<vmem>>, vector<1x16xf32>,
          %parallel_loop3A_323 = vector.shape_cast %parallel_loop3A_322 : vector<1x16xf32> to vector<16xf32>
          %parallel_loop3A_324 = arith.addf %parallel_loop3A_319, %parallel_loop3A_323 : vector<16xf32>
          %parallel_loop3A_325 = arith.constant 0.000000e+00 : f32
          %parallel_loop3A_326 = vector.broadcast %parallel_loop3A_325 : f32 to vector<16xf32>
          %parallel_loop3A_327 = arith.maximumf %parallel_loop3A_324, %parallel_loop3A_326 : vector<16xf32>
          %parallel_loop3A_328 = arith.index_cast %parallel_loop3A_213 : i32 to index
          %parallel_loop3A_329 = arith.constant 96 : index
          %parallel_loop3A_330 = tpu.vector_load %arg9[%parallel_loop3A_328, %parallel_loop3A_329] {strides = array<i32>} : memref<40x128xf32, #tpu.memory_space<vmem>>, vector<1x16xf32>,
          %parallel_loop3A_331 = vector.shape_cast %parallel_loop3A_330 : vector<1x16xf32> to vector<16xf32>
          %parallel_loop3A_332 = vector.shape_cast %parallel_loop3A_327 : vector<16xf32> to vector<1x16xf32>
          tpu.vector_store %arg9[%parallel_loop3A_328, %parallel_loop3A_329], %parallel_loop3A_332 {strides = array<i32>} : memref<40x128xf32, #tpu.memory_space<vmem>>, vector<1x16xf32>,
          %parallel_loop3A_333 = arith.index_cast %parallel_loop3A_213 : i32 to index
          %parallel_loop3A_334 = arith.constant 112 : index
          %parallel_loop3A_335 = tpu.vector_load %arg9[%parallel_loop3A_333, %parallel_loop3A_334] {strides = array<i32>} : memref<40x128xf32, #tpu.memory_space<vmem>>, vector<1x16xf32>,
          %parallel_loop3A_336 = vector.shape_cast %parallel_loop3A_335 : vector<1x16xf32> to vector<16xf32>
          %parallel_loop3A_337 = arith.index_cast %parallel_loop3A_213 : i32 to index
          %parallel_loop3A_338 = arith.constant 112 : index
          %parallel_loop3A_339 = tpu.vector_load %arg11[%parallel_loop3A_337, %parallel_loop3A_338] {strides = array<i32>} : memref<40x128xf32, #tpu.memory_space<vmem>>, vector<1x16xf32>,
          %parallel_loop3A_340 = vector.shape_cast %parallel_loop3A_339 : vector<1x16xf32> to vector<16xf32>
          %parallel_loop3A_341 = arith.addf %parallel_loop3A_336, %parallel_loop3A_340 : vector<16xf32>
          %parallel_loop3A_342 = arith.constant 0.000000e+00 : f32
          %parallel_loop3A_343 = vector.broadcast %parallel_loop3A_342 : f32 to vector<16xf32>
          %parallel_loop3A_344 = arith.maximumf %parallel_loop3A_341, %parallel_loop3A_343 : vector<16xf32>
          %parallel_loop3A_345 = arith.index_cast %parallel_loop3A_213 : i32 to index
          %parallel_loop3A_346 = arith.constant 112 : index
          %parallel_loop3A_347 = tpu.vector_load %arg9[%parallel_loop3A_345, %parallel_loop3A_346] {strides = array<i32>} : memref<40x128xf32, #tpu.memory_space<vmem>>, vector<1x16xf32>,
          %parallel_loop3A_348 = vector.shape_cast %parallel_loop3A_347 : vector<1x16xf32> to vector<16xf32>
          %parallel_loop3A_349 = vector.shape_cast %parallel_loop3A_344 : vector<16xf32> to vector<1x16xf32>
          tpu.vector_store %arg9[%parallel_loop3A_345, %parallel_loop3A_346], %parallel_loop3A_349 {strides = array<i32>} : memref<40x128xf32, #tpu.memory_space<vmem>>, vector<1x16xf32>,
        } {sc.loop_unroll_factor = 4 : i64, sc.parallel_access}
        %dma_start3A_167 = arith.constant 0 : i32
        %dma_start3A_168 = tpu.memref_slice %arg8[%mul3A_129, %dma_start3A_167] : memref<50x40xi32, #tpu.memory_space<vmem>> -> memref<1x40xi32, #tpu.memory_space<vmem>>
        %dma_start3A_169 = tpu.memref_squeeze %dma_start3A_168 : memref<1x40xi32, #tpu.memory_space<vmem>> -> memref<40xi32, #tpu.memory_space<vmem>>
        %dma_start3A_170 = arith.constant 0 : i32
        %dma_start3A_171 = arith.constant 0 : i32
        %dma_start3A_172 = tpu.memref_slice %arg13[%dma_start3A_170, %dma_start3A_171] : memref<10000x128xf32, #tpu.memory_space<vmem_shared>> -> memref<10000x128xf32, #tpu.memory_space<vmem_shared>>
        tpu.enqueue_indirect_dma source(%arg9 : memref<40x128xf32, #tpu.memory_space<vmem>>) target(%dma_start3A_172 : memref<10000x128xf32, #tpu.memory_space<vmem_shared>>) offsets(%dma_start3A_169 : memref<40xi32, #tpu.memory_space<vmem>>) semaphore(%arg19 : memref<!tpu.dma_semaphore, #tpu.memory_space<semaphore_mem>>) {add = true}
        %dma_wait3A_173 = arith.constant 0 : i32
        %dma_wait3A_174 = arith.constant 0 : i32
        %dma_wait3A_175 = tpu.memref_slice %arg8[%dma_wait3A_173, %dma_wait3A_174] : memref<50x40xi32, #tpu.memory_space<vmem>> -> memref<1x40xi32, #tpu.memory_space<vmem>>
        %dma_wait3A_176 = tpu.memref_squeeze %dma_wait3A_175 : memref<1x40xi32, #tpu.memory_space<vmem>> -> memref<40xi32, #tpu.memory_space<vmem>>
        %dma_wait3A_177 = arith.constant 0 : i32
        %dma_wait3A_178 = arith.constant 0 : i32
        %dma_wait3A_179 = tpu.memref_slice %arg13[%dma_wait3A_177, %dma_wait3A_178] : memref<10000x128xf32, #tpu.memory_space<vmem_shared>> -> memref<10000x128xf32, #tpu.memory_space<vmem_shared>>
        tpu.wait_indirect_dma semaphore(%arg19 : memref<!tpu.dma_semaphore, #tpu.memory_space<semaphore_mem>>) src(%arg9 : memref<40x128xf32, #tpu.memory_space<vmem>>) dst(%dma_wait3A_179 : memref<10000x128xf32, #tpu.memory_space<vmem_shared>>)
        %add3A_180 = arith.constant 2 : i32
        %add3A_181 = arith.addi %mul3A_129, %add3A_180 : i32
        %lt3A = arith.constant 50 : i32
        %lt3A_182 = arith.cmpi slt, %add3A_181, %lt3A : i32
        %convert_element_type3A_183 = arith.extui %lt3A_182 : i1 to i32
        %cond3A_184 = arith.constant 0 : i32
        %cond3A_185 = arith.cmpi ne, %convert_element_type3A_183, %cond3A_184 : i32
        scf.if %cond3A_185 {
          %add3A_213 = arith.constant 2 : i32
          %add3A_214 = arith.addi %mul3A_129, %add3A_213 : i32
          %dma_start3A_215 = arith.constant 0 : i32
          %dma_start3A_216 = arith.constant 0 : i32
          %dma_start3A_217 = tpu.memref_slice %arg7[%add3A_214, %dma_start3A_215, %dma_start3A_216] : memref<50x2x40xi32, #tpu.memory_space<vmem>> -> memref<1x1x40xi32, #tpu.memory_space<vmem>>
          %dma_start3A_218 = tpu.memref_squeeze %dma_start3A_217 : memref<1x1x40xi32, #tpu.memory_space<vmem>> -> memref<40xi32, #tpu.memory_space<vmem>>
          %dma_start3A_219 = arith.constant 0 : i32
          %dma_start3A_220 = arith.constant 0 : i32
          %dma_start3A_221 = tpu.memref_slice %arg2[%dma_start3A_219, %dma_start3A_220] : memref<10000x128xf32, #tpu.memory_space<hbm>> -> memref<10000x128xf32, #tpu.memory_space<hbm>>
          tpu.enqueue_indirect_dma source(%dma_start3A_221 : memref<10000x128xf32, #tpu.memory_space<hbm>>) target(%arg9 : memref<40x128xf32, #tpu.memory_space<vmem>>) offsets(%dma_start3A_218 : memref<40xi32, #tpu.memory_space<vmem>>) semaphore(%arg15 : memref<!tpu.dma_semaphore, #tpu.memory_space<semaphore_mem>>)
          %dma_start3A_222 = arith.constant 1 : i32
          %dma_start3A_223 = arith.constant 0 : i32
          %dma_start3A_224 = tpu.memref_slice %arg7[%add3A_214, %dma_start3A_222, %dma_start3A_223] : memref<50x2x40xi32, #tpu.memory_space<vmem>> -> memref<1x1x40xi32, #tpu.memory_space<vmem>>
          %dma_start3A_225 = tpu.memref_squeeze %dma_start3A_224 : memref<1x1x40xi32, #tpu.memory_space<vmem>> -> memref<40xi32, #tpu.memory_space<vmem>>
          %dma_start3A_226 = arith.constant 0 : i32
          %dma_start3A_227 = arith.constant 0 : i32
          %dma_start3A_228 = tpu.memref_slice %arg14[%dma_start3A_226, %dma_start3A_227] : memref<512x128xf32, #tpu.memory_space<vmem_shared>> -> memref<512x128xf32, #tpu.memory_space<vmem_shared>>
          tpu.enqueue_indirect_dma source(%dma_start3A_228 : memref<512x128xf32, #tpu.memory_space<vmem_shared>>) target(%arg11 : memref<40x128xf32, #tpu.memory_space<vmem>>) offsets(%dma_start3A_225 : memref<40xi32, #tpu.memory_space<vmem>>) semaphore(%arg17 : memref<!tpu.dma_semaphore, #tpu.memory_space<semaphore_mem>>)
        } else {
        }
        %add3A_186 = arith.constant 1 : i32
        %add3A_187 = arith.addi %mul3A_129, %add3A_186 : i32
        %dma_wait3A_188 = arith.constant 0 : i32
        %dma_wait3A_189 = arith.constant 0 : i32
        %dma_wait3A_190 = tpu.memref_slice %arg7[%add3A_187, %dma_wait3A_188, %dma_wait3A_189] : memref<50x2x40xi32, #tpu.memory_space<vmem>> -> memref<1x1x40xi32, #tpu.memory_space<vmem>>
        %dma_wait3A_191 = tpu.memref_squeeze %dma_wait3A_190 : memref<1x1x40xi32, #tpu.memory_space<vmem>> -> memref<40xi32, #tpu.memory_space<vmem>>
        %dma_wait3A_192 = arith.constant 0 : i32
        %dma_wait3A_193 = arith.constant 0 : i32
        %dma_wait3A_194 = tpu.memref_slice %arg2[%dma_wait3A_192, %dma_wait3A_193] : memref<10000x128xf32, #tpu.memory_space<hbm>> -> memref<10000x128xf32, #tpu.memory_space<hbm>>
        tpu.wait_indirect_dma semaphore(%arg16 : memref<!tpu.dma_semaphore, #tpu.memory_space<semaphore_mem>>) src(%dma_wait3A_194 : memref<10000x128xf32, #tpu.memory_space<hbm>>) dst(%arg10 : memref<40x128xf32, #tpu.memory_space<vmem>>)
        %dma_wait3A_195 = arith.constant 1 : i32
        %dma_wait3A_196 = arith.constant 0 : i32
        %dma_wait3A_197 = tpu.memref_slice %arg7[%add3A_187, %dma_wait3A_195, %dma_wait3A_196] : memref<50x2x40xi32, #tpu.memory_space<vmem>> -> memref<1x1x40xi32, #tpu.memory_space<vmem>>
        %dma_wait3A_198 = tpu.memref_squeeze %dma_wait3A_197 : memref<1x1x40xi32, #tpu.memory_space<vmem>> -> memref<40xi32, #tpu.memory_space<vmem>>
        %dma_wait3A_199 = arith.constant 0 : i32
        %dma_wait3A_200 = arith.constant 0 : i32
        %dma_wait3A_201 = tpu.memref_slice %arg14[%dma_wait3A_199, %dma_wait3A_200] : memref<512x128xf32, #tpu.memory_space<vmem_shared>> -> memref<512x128xf32, #tpu.memory_space<vmem_shared>>
        tpu.wait_indirect_dma semaphore(%arg18 : memref<!tpu.dma_semaphore, #tpu.memory_space<semaphore_mem>>) src(%dma_wait3A_201 : memref<512x128xf32, #tpu.memory_space<vmem_shared>>) dst(%arg12 : memref<40x128xf32, #tpu.memory_space<vmem>>)
        %parallel_loop3A_202 = arith.constant 0 : i32
        %parallel_loop3A_203 = arith.constant 40 : i32
        %parallel_loop3A_204 = arith.constant 1 : i32
        scf.for %parallel_loop3A_213 = %parallel_loop3A_202 to %parallel_loop3A_203 step %parallel_loop3A_204  : i32 {
          %parallel_loop3A_214 = arith.index_cast %parallel_loop3A_213 : i32 to index
          %parallel_loop3A_215 = arith.constant 0 : index
          %parallel_loop3A_216 = tpu.vector_load %arg10[%parallel_loop3A_214, %parallel_loop3A_215] {strides = array<i32>} : memref<40x128xf32, #tpu.memory_space<vmem>>, vector<1x16xf32>,
          %parallel_loop3A_217 = vector.shape_cast %parallel_loop3A_216 : vector<1x16xf32> to vector<16xf32>
          %parallel_loop3A_218 = arith.index_cast %parallel_loop3A_213 : i32 to index
          %parallel_loop3A_219 = arith.constant 0 : index
          %parallel_loop3A_220 = tpu.vector_load %arg12[%parallel_loop3A_218, %parallel_loop3A_219] {strides = array<i32>} : memref<40x128xf32, #tpu.memory_space<vmem>>, vector<1x16xf32>,
          %parallel_loop3A_221 = vector.shape_cast %parallel_loop3A_220 : vector<1x16xf32> to vector<16xf32>
          %parallel_loop3A_222 = arith.addf %parallel_loop3A_217, %parallel_loop3A_221 : vector<16xf32>
          %parallel_loop3A_223 = arith.constant 0.000000e+00 : f32
          %parallel_loop3A_224 = vector.broadcast %parallel_loop3A_223 : f32 to vector<16xf32>
          %parallel_loop3A_225 = arith.maximumf %parallel_loop3A_222, %parallel_loop3A_224 : vector<16xf32>
          %parallel_loop3A_226 = arith.index_cast %parallel_loop3A_213 : i32 to index
          %parallel_loop3A_227 = arith.constant 0 : index
          %parallel_loop3A_228 = tpu.vector_load %arg10[%parallel_loop3A_226, %parallel_loop3A_227] {strides = array<i32>} : memref<40x128xf32, #tpu.memory_space<vmem>>, vector<1x16xf32>,
          %parallel_loop3A_229 = vector.shape_cast %parallel_loop3A_228 : vector<1x16xf32> to vector<16xf32>
          %parallel_loop3A_230 = vector.shape_cast %parallel_loop3A_225 : vector<16xf32> to vector<1x16xf32>
          tpu.vector_store %arg10[%parallel_loop3A_226, %parallel_loop3A_227], %parallel_loop3A_230 {strides = array<i32>} : memref<40x128xf32, #tpu.memory_space<vmem>>, vector<1x16xf32>,
          %parallel_loop3A_231 = arith.index_cast %parallel_loop3A_213 : i32 to index
          %parallel_loop3A_232 = arith.constant 16 : index
          %parallel_loop3A_233 = tpu.vector_load %arg10[%parallel_loop3A_231, %parallel_loop3A_232] {strides = array<i32>} : memref<40x128xf32, #tpu.memory_space<vmem>>, vector<1x16xf32>,
          %parallel_loop3A_234 = vector.shape_cast %parallel_loop3A_233 : vector<1x16xf32> to vector<16xf32>
          %parallel_loop3A_235 = arith.index_cast %parallel_loop3A_213 : i32 to index
          %parallel_loop3A_236 = arith.constant 16 : index
          %parallel_loop3A_237 = tpu.vector_load %arg12[%parallel_loop3A_235, %parallel_loop3A_236] {strides = array<i32>} : memref<40x128xf32, #tpu.memory_space<vmem>>, vector<1x16xf32>,
          %parallel_loop3A_238 = vector.shape_cast %parallel_loop3A_237 : vector<1x16xf32> to vector<16xf32>
          %parallel_loop3A_239 = arith.addf %parallel_loop3A_234, %parallel_loop3A_238 : vector<16xf32>
          %parallel_loop3A_240 = arith.constant 0.000000e+00 : f32
          %parallel_loop3A_241 = vector.broadcast %parallel_loop3A_240 : f32 to vector<16xf32>
          %parallel_loop3A_242 = arith.maximumf %parallel_loop3A_239, %parallel_loop3A_241 : vector<16xf32>
          %parallel_loop3A_243 = arith.index_cast %parallel_loop3A_213 : i32 to index
          %parallel_loop3A_244 = arith.constant 16 : index
          %parallel_loop3A_245 = tpu.vector_load %arg10[%parallel_loop3A_243, %parallel_loop3A_244] {strides = array<i32>} : memref<40x128xf32, #tpu.memory_space<vmem>>, vector<1x16xf32>,
          %parallel_loop3A_246 = vector.shape_cast %parallel_loop3A_245 : vector<1x16xf32> to vector<16xf32>
          %parallel_loop3A_247 = vector.shape_cast %parallel_loop3A_242 : vector<16xf32> to vector<1x16xf32>
          tpu.vector_store %arg10[%parallel_loop3A_243, %parallel_loop3A_244], %parallel_loop3A_247 {strides = array<i32>} : memref<40x128xf32, #tpu.memory_space<vmem>>, vector<1x16xf32>,
          %parallel_loop3A_248 = arith.index_cast %parallel_loop3A_213 : i32 to index
          %parallel_loop3A_249 = arith.constant 32 : index
          %parallel_loop3A_250 = tpu.vector_load %arg10[%parallel_loop3A_248, %parallel_loop3A_249] {strides = array<i32>} : memref<40x128xf32, #tpu.memory_space<vmem>>, vector<1x16xf32>,
          %parallel_loop3A_251 = vector.shape_cast %parallel_loop3A_250 : vector<1x16xf32> to vector<16xf32>
          %parallel_loop3A_252 = arith.index_cast %parallel_loop3A_213 : i32 to index
          %parallel_loop3A_253 = arith.constant 32 : index
          %parallel_loop3A_254 = tpu.vector_load %arg12[%parallel_loop3A_252, %parallel_loop3A_253] {strides = array<i32>} : memref<40x128xf32, #tpu.memory_space<vmem>>, vector<1x16xf32>,
          %parallel_loop3A_255 = vector.shape_cast %parallel_loop3A_254 : vector<1x16xf32> to vector<16xf32>
          %parallel_loop3A_256 = arith.addf %parallel_loop3A_251, %parallel_loop3A_255 : vector<16xf32>
          %parallel_loop3A_257 = arith.constant 0.000000e+00 : f32
          %parallel_loop3A_258 = vector.broadcast %parallel_loop3A_257 : f32 to vector<16xf32>
          %parallel_loop3A_259 = arith.maximumf %parallel_loop3A_256, %parallel_loop3A_258 : vector<16xf32>
          %parallel_loop3A_260 = arith.index_cast %parallel_loop3A_213 : i32 to index
          %parallel_loop3A_261 = arith.constant 32 : index
          %parallel_loop3A_262 = tpu.vector_load %arg10[%parallel_loop3A_260, %parallel_loop3A_261] {strides = array<i32>} : memref<40x128xf32, #tpu.memory_space<vmem>>, vector<1x16xf32>,
          %parallel_loop3A_263 = vector.shape_cast %parallel_loop3A_262 : vector<1x16xf32> to vector<16xf32>
          %parallel_loop3A_264 = vector.shape_cast %parallel_loop3A_259 : vector<16xf32> to vector<1x16xf32>
          tpu.vector_store %arg10[%parallel_loop3A_260, %parallel_loop3A_261], %parallel_loop3A_264 {strides = array<i32>} : memref<40x128xf32, #tpu.memory_space<vmem>>, vector<1x16xf32>,
          %parallel_loop3A_265 = arith.index_cast %parallel_loop3A_213 : i32 to index
          %parallel_loop3A_266 = arith.constant 48 : index
          %parallel_loop3A_267 = tpu.vector_load %arg10[%parallel_loop3A_265, %parallel_loop3A_266] {strides = array<i32>} : memref<40x128xf32, #tpu.memory_space<vmem>>, vector<1x16xf32>,
          %parallel_loop3A_268 = vector.shape_cast %parallel_loop3A_267 : vector<1x16xf32> to vector<16xf32>
          %parallel_loop3A_269 = arith.index_cast %parallel_loop3A_213 : i32 to index
          %parallel_loop3A_270 = arith.constant 48 : index
          %parallel_loop3A_271 = tpu.vector_load %arg12[%parallel_loop3A_269, %parallel_loop3A_270] {strides = array<i32>} : memref<40x128xf32, #tpu.memory_space<vmem>>, vector<1x16xf32>,
          %parallel_loop3A_272 = vector.shape_cast %parallel_loop3A_271 : vector<1x16xf32> to vector<16xf32>
          %parallel_loop3A_273 = arith.addf %parallel_loop3A_268, %parallel_loop3A_272 : vector<16xf32>
          %parallel_loop3A_274 = arith.constant 0.000000e+00 : f32
          %parallel_loop3A_275 = vector.broadcast %parallel_loop3A_274 : f32 to vector<16xf32>
          %parallel_loop3A_276 = arith.maximumf %parallel_loop3A_273, %parallel_loop3A_275 : vector<16xf32>
          %parallel_loop3A_277 = arith.index_cast %parallel_loop3A_213 : i32 to index
          %parallel_loop3A_278 = arith.constant 48 : index
          %parallel_loop3A_279 = tpu.vector_load %arg10[%parallel_loop3A_277, %parallel_loop3A_278] {strides = array<i32>} : memref<40x128xf32, #tpu.memory_space<vmem>>, vector<1x16xf32>,
          %parallel_loop3A_280 = vector.shape_cast %parallel_loop3A_279 : vector<1x16xf32> to vector<16xf32>
          %parallel_loop3A_281 = vector.shape_cast %parallel_loop3A_276 : vector<16xf32> to vector<1x16xf32>
          tpu.vector_store %arg10[%parallel_loop3A_277, %parallel_loop3A_278], %parallel_loop3A_281 {strides = array<i32>} : memref<40x128xf32, #tpu.memory_space<vmem>>, vector<1x16xf32>,
          %parallel_loop3A_282 = arith.index_cast %parallel_loop3A_213 : i32 to index
          %parallel_loop3A_283 = arith.constant 64 : index
          %parallel_loop3A_284 = tpu.vector_load %arg10[%parallel_loop3A_282, %parallel_loop3A_283] {strides = array<i32>} : memref<40x128xf32, #tpu.memory_space<vmem>>, vector<1x16xf32>,
          %parallel_loop3A_285 = vector.shape_cast %parallel_loop3A_284 : vector<1x16xf32> to vector<16xf32>
          %parallel_loop3A_286 = arith.index_cast %parallel_loop3A_213 : i32 to index
          %parallel_loop3A_287 = arith.constant 64 : index
          %parallel_loop3A_288 = tpu.vector_load %arg12[%parallel_loop3A_286, %parallel_loop3A_287] {strides = array<i32>} : memref<40x128xf32, #tpu.memory_space<vmem>>, vector<1x16xf32>,
          %parallel_loop3A_289 = vector.shape_cast %parallel_loop3A_288 : vector<1x16xf32> to vector<16xf32>
          %parallel_loop3A_290 = arith.addf %parallel_loop3A_285, %parallel_loop3A_289 : vector<16xf32>
          %parallel_loop3A_291 = arith.constant 0.000000e+00 : f32
          %parallel_loop3A_292 = vector.broadcast %parallel_loop3A_291 : f32 to vector<16xf32>
          %parallel_loop3A_293 = arith.maximumf %parallel_loop3A_290, %parallel_loop3A_292 : vector<16xf32>
          %parallel_loop3A_294 = arith.index_cast %parallel_loop3A_213 : i32 to index
          %parallel_loop3A_295 = arith.constant 64 : index
          %parallel_loop3A_296 = tpu.vector_load %arg10[%parallel_loop3A_294, %parallel_loop3A_295] {strides = array<i32>} : memref<40x128xf32, #tpu.memory_space<vmem>>, vector<1x16xf32>,
          %parallel_loop3A_297 = vector.shape_cast %parallel_loop3A_296 : vector<1x16xf32> to vector<16xf32>
          %parallel_loop3A_298 = vector.shape_cast %parallel_loop3A_293 : vector<16xf32> to vector<1x16xf32>
          tpu.vector_store %arg10[%parallel_loop3A_294, %parallel_loop3A_295], %parallel_loop3A_298 {strides = array<i32>} : memref<40x128xf32, #tpu.memory_space<vmem>>, vector<1x16xf32>,
          %parallel_loop3A_299 = arith.index_cast %parallel_loop3A_213 : i32 to index
          %parallel_loop3A_300 = arith.constant 80 : index
          %parallel_loop3A_301 = tpu.vector_load %arg10[%parallel_loop3A_299, %parallel_loop3A_300] {strides = array<i32>} : memref<40x128xf32, #tpu.memory_space<vmem>>, vector<1x16xf32>,
          %parallel_loop3A_302 = vector.shape_cast %parallel_loop3A_301 : vector<1x16xf32> to vector<16xf32>
          %parallel_loop3A_303 = arith.index_cast %parallel_loop3A_213 : i32 to index
          %parallel_loop3A_304 = arith.constant 80 : index
          %parallel_loop3A_305 = tpu.vector_load %arg12[%parallel_loop3A_303, %parallel_loop3A_304] {strides = array<i32>} : memref<40x128xf32, #tpu.memory_space<vmem>>, vector<1x16xf32>,
          %parallel_loop3A_306 = vector.shape_cast %parallel_loop3A_305 : vector<1x16xf32> to vector<16xf32>
          %parallel_loop3A_307 = arith.addf %parallel_loop3A_302, %parallel_loop3A_306 : vector<16xf32>
          %parallel_loop3A_308 = arith.constant 0.000000e+00 : f32
          %parallel_loop3A_309 = vector.broadcast %parallel_loop3A_308 : f32 to vector<16xf32>
          %parallel_loop3A_310 = arith.maximumf %parallel_loop3A_307, %parallel_loop3A_309 : vector<16xf32>
          %parallel_loop3A_311 = arith.index_cast %parallel_loop3A_213 : i32 to index
          %parallel_loop3A_312 = arith.constant 80 : index
          %parallel_loop3A_313 = tpu.vector_load %arg10[%parallel_loop3A_311, %parallel_loop3A_312] {strides = array<i32>} : memref<40x128xf32, #tpu.memory_space<vmem>>, vector<1x16xf32>,
          %parallel_loop3A_314 = vector.shape_cast %parallel_loop3A_313 : vector<1x16xf32> to vector<16xf32>
          %parallel_loop3A_315 = vector.shape_cast %parallel_loop3A_310 : vector<16xf32> to vector<1x16xf32>
          tpu.vector_store %arg10[%parallel_loop3A_311, %parallel_loop3A_312], %parallel_loop3A_315 {strides = array<i32>} : memref<40x128xf32, #tpu.memory_space<vmem>>, vector<1x16xf32>,
          %parallel_loop3A_316 = arith.index_cast %parallel_loop3A_213 : i32 to index
          %parallel_loop3A_317 = arith.constant 96 : index
          %parallel_loop3A_318 = tpu.vector_load %arg10[%parallel_loop3A_316, %parallel_loop3A_317] {strides = array<i32>} : memref<40x128xf32, #tpu.memory_space<vmem>>, vector<1x16xf32>,
          %parallel_loop3A_319 = vector.shape_cast %parallel_loop3A_318 : vector<1x16xf32> to vector<16xf32>
          %parallel_loop3A_320 = arith.index_cast %parallel_loop3A_213 : i32 to index
          %parallel_loop3A_321 = arith.constant 96 : index
          %parallel_loop3A_322 = tpu.vector_load %arg12[%parallel_loop3A_320, %parallel_loop3A_321] {strides = array<i32>} : memref<40x128xf32, #tpu.memory_space<vmem>>, vector<1x16xf32>,
          %parallel_loop3A_323 = vector.shape_cast %parallel_loop3A_322 : vector<1x16xf32> to vector<16xf32>
          %parallel_loop3A_324 = arith.addf %parallel_loop3A_319, %parallel_loop3A_323 : vector<16xf32>
          %parallel_loop3A_325 = arith.constant 0.000000e+00 : f32
          %parallel_loop3A_326 = vector.broadcast %parallel_loop3A_325 : f32 to vector<16xf32>
          %parallel_loop3A_327 = arith.maximumf %parallel_loop3A_324, %parallel_loop3A_326 : vector<16xf32>
          %parallel_loop3A_328 = arith.index_cast %parallel_loop3A_213 : i32 to index
          %parallel_loop3A_329 = arith.constant 96 : index
          %parallel_loop3A_330 = tpu.vector_load %arg10[%parallel_loop3A_328, %parallel_loop3A_329] {strides = array<i32>} : memref<40x128xf32, #tpu.memory_space<vmem>>, vector<1x16xf32>,
          %parallel_loop3A_331 = vector.shape_cast %parallel_loop3A_330 : vector<1x16xf32> to vector<16xf32>
          %parallel_loop3A_332 = vector.shape_cast %parallel_loop3A_327 : vector<16xf32> to vector<1x16xf32>
          tpu.vector_store %arg10[%parallel_loop3A_328, %parallel_loop3A_329], %parallel_loop3A_332 {strides = array<i32>} : memref<40x128xf32, #tpu.memory_space<vmem>>, vector<1x16xf32>,
          %parallel_loop3A_333 = arith.index_cast %parallel_loop3A_213 : i32 to index
          %parallel_loop3A_334 = arith.constant 112 : index
          %parallel_loop3A_335 = tpu.vector_load %arg10[%parallel_loop3A_333, %parallel_loop3A_334] {strides = array<i32>} : memref<40x128xf32, #tpu.memory_space<vmem>>, vector<1x16xf32>,
          %parallel_loop3A_336 = vector.shape_cast %parallel_loop3A_335 : vector<1x16xf32> to vector<16xf32>
          %parallel_loop3A_337 = arith.index_cast %parallel_loop3A_213 : i32 to index
          %parallel_loop3A_338 = arith.constant 112 : index
          %parallel_loop3A_339 = tpu.vector_load %arg12[%parallel_loop3A_337, %parallel_loop3A_338] {strides = array<i32>} : memref<40x128xf32, #tpu.memory_space<vmem>>, vector<1x16xf32>,
          %parallel_loop3A_340 = vector.shape_cast %parallel_loop3A_339 : vector<1x16xf32> to vector<16xf32>
          %parallel_loop3A_341 = arith.addf %parallel_loop3A_336, %parallel_loop3A_340 : vector<16xf32>
          %parallel_loop3A_342 = arith.constant 0.000000e+00 : f32
          %parallel_loop3A_343 = vector.broadcast %parallel_loop3A_342 : f32 to vector<16xf32>
          %parallel_loop3A_344 = arith.maximumf %parallel_loop3A_341, %parallel_loop3A_343 : vector<16xf32>
          %parallel_loop3A_345 = arith.index_cast %parallel_loop3A_213 : i32 to index
          %parallel_loop3A_346 = arith.constant 112 : index
          %parallel_loop3A_347 = tpu.vector_load %arg10[%parallel_loop3A_345, %parallel_loop3A_346] {strides = array<i32>} : memref<40x128xf32, #tpu.memory_space<vmem>>, vector<1x16xf32>,
          %parallel_loop3A_348 = vector.shape_cast %parallel_loop3A_347 : vector<1x16xf32> to vector<16xf32>
          %parallel_loop3A_349 = vector.shape_cast %parallel_loop3A_344 : vector<16xf32> to vector<1x16xf32>
          tpu.vector_store %arg10[%parallel_loop3A_345, %parallel_loop3A_346], %parallel_loop3A_349 {strides = array<i32>} : memref<40x128xf32, #tpu.memory_space<vmem>>, vector<1x16xf32>,
        } {sc.loop_unroll_factor = 4 : i64, sc.parallel_access}
        %add3A_205 = arith.constant 1 : i32
        %add3A_206 = arith.addi %mul3A_129, %add3A_205 : i32
        %dma_start3A_207 = arith.constant 0 : i32
        %dma_start3A_208 = tpu.memref_slice %arg8[%add3A_206, %dma_start3A_207] : memref<50x40xi32, #tpu.memory_space<vmem>> -> memref<1x40xi32, #tpu.memory_space<vmem>>
        %dma_start3A_209 = tpu.memref_squeeze %dma_start3A_208 : memref<1x40xi32, #tpu.memory_space<vmem>> -> memref<40xi32, #tpu.memory_space<vmem>>
        %dma_start3A_210 = arith.constant 0 : i32
        %dma_start3A_211 = arith.constant 0 : i32
        %dma_start3A_212 = tpu.memref_slice %arg13[%dma_start3A_210, %dma_start3A_211] : memref<10000x128xf32, #tpu.memory_space<vmem_shared>> -> memref<10000x128xf32, #tpu.memory_space<vmem_shared>>
        tpu.enqueue_indirect_dma source(%arg10 : memref<40x128xf32, #tpu.memory_space<vmem>>) target(%dma_start3A_212 : memref<10000x128xf32, #tpu.memory_space<vmem_shared>>) offsets(%dma_start3A_209 : memref<40xi32, #tpu.memory_space<vmem>>) semaphore(%arg20 : memref<!tpu.dma_semaphore, #tpu.memory_space<semaphore_mem>>) {add = true}
      }
      %scan3A_126 = arith.constant 25 : i32
    }
    %scan3A_82 = arith.constant 5 : i32
    %dma_wait3A = arith.constant 0 : i32
    %dma_wait3A_83 = arith.constant 0 : i32
    %dma_wait3A_84 = tpu.memref_slice %arg8[%dma_wait3A, %dma_wait3A_83] : memref<50x40xi32, #tpu.memory_space<vmem>> -> memref<1x40xi32, #tpu.memory_space<vmem>>
    %dma_wait3A_85 = tpu.memref_squeeze %dma_wait3A_84 : memref<1x40xi32, #tpu.memory_space<vmem>> -> memref<40xi32, #tpu.memory_space<vmem>>
    %dma_wait3A_86 = arith.constant 0 : i32
    %dma_wait3A_87 = arith.constant 0 : i32
    %dma_wait3A_88 = tpu.memref_slice %arg13[%dma_wait3A_86, %dma_wait3A_87] : memref<10000x128xf32, #tpu.memory_space<vmem_shared>> -> memref<10000x128xf32, #tpu.memory_space<vmem_shared>>
    tpu.wait_indirect_dma semaphore(%arg20 : memref<!tpu.dma_semaphore, #tpu.memory_space<semaphore_mem>>) src(%arg10 : memref<40x128xf32, #tpu.memory_space<vmem>>) dst(%dma_wait3A_88 : memref<10000x128xf32, #tpu.memory_space<vmem_shared>>)
    %barrier3A_89 = arith.constant 0 : index
    tpu.barrier barrier_id(%barrier3A_89)
    %mul3A_90 = arith.constant 624 : i32
    %mul3A_91 = arith.muli %arg1, %mul3A_90 : i32
    %mul3A_92 = arith.constant 624 : i32
    %mul3A_93 = arith.muli %arg1, %mul3A_92 : i32
    "tpu.region"() ({
      %run_scoped3A = tpu.sem_alloc : memref<!tpu.dma_semaphore, #tpu.memory_space<semaphore_mem>>
      %dma_start3A = arith.constant 0 : i32
      %dma_start3A_99 = tpu.memref_slice %arg6[%arg0, %mul3A_93, %dma_start3A] : memref<2x10000x128xf32, #tpu.memory_space<hbm>> -> memref<1x624x128xf32, #tpu.memory_space<hbm>>
      %dma_start3A_100 = tpu.memref_squeeze %dma_start3A_99 : memref<1x624x128xf32, #tpu.memory_space<hbm>> -> memref<624x128xf32, #tpu.memory_space<hbm>>
      %dma_start3A_101 = arith.constant 0 : i32
      %dma_start3A_102 = tpu.memref_slice %arg13[%mul3A_91, %dma_start3A_101] : memref<10000x128xf32, #tpu.memory_space<vmem_shared>> -> memref<624x128xf32, #tpu.memory_space<vmem_shared>>
      tpu.enqueue_dma source(%dma_start3A_102 : memref<624x128xf32, #tpu.memory_space<vmem_shared>>) target(%dma_start3A_100 : memref<624x128xf32, #tpu.memory_space<hbm>>) target_semaphore(%run_scoped3A : memref<!tpu.dma_semaphore, #tpu.memory_space<semaphore_mem>>)
      %dma_wait3A_103 = arith.constant 0 : i32
      %dma_wait3A_104 = tpu.memref_slice %arg6[%arg0, %mul3A_93, %dma_wait3A_103] : memref<2x10000x128xf32, #tpu.memory_space<hbm>> -> memref<1x624x128xf32, #tpu.memory_space<hbm>>
      %dma_wait3A_105 = tpu.memref_squeeze %dma_wait3A_104 : memref<1x624x128xf32, #tpu.memory_space<hbm>> -> memref<624x128xf32, #tpu.memory_space<hbm>>
      %dma_wait3A_106 = arith.constant 0 : i32
      %dma_wait3A_107 = tpu.memref_slice %arg13[%mul3A_91, %dma_wait3A_106] : memref<10000x128xf32, #tpu.memory_space<vmem_shared>> -> memref<624x128xf32, #tpu.memory_space<vmem_shared>>
      tpu.wait_dma2 semaphore(%run_scoped3A : memref<!tpu.dma_semaphore, #tpu.memory_space<semaphore_mem>>) src(%dma_wait3A_107 : memref<624x128xf32, #tpu.memory_space<vmem_shared>>) dst(%dma_wait3A_105 : memref<624x128xf32, #tpu.memory_space<hbm>>)
      tpu.yield
    }) : () -> ()
    %eq3A_94 = arith.constant 0 : i32
    %eq3A_95 = arith.cmpi eq, %arg1, %eq3A_94 : i32
    %convert_element_type3A_96 = arith.extui %eq3A_95 : i1 to i32
    %cond3A_97 = arith.constant 0 : i32
    %cond3A_98 = arith.cmpi ne, %convert_element_type3A_96, %cond3A_97 : i32
    scf.if %cond3A_98 {
      "tpu.region"() ({
        %run_scoped3A = tpu.sem_alloc : memref<!tpu.dma_semaphore, #tpu.memory_space<semaphore_mem>>
        %dma_start3A = arith.constant 9984 : i32
        %dma_start3A_99 = arith.constant 0 : i32
        %dma_start3A_100 = tpu.memref_slice %arg6[%arg0, %dma_start3A, %dma_start3A_99] : memref<2x10000x128xf32, #tpu.memory_space<hbm>> -> memref<1x16x128xf32, #tpu.memory_space<hbm>>
        %dma_start3A_101 = tpu.memref_squeeze %dma_start3A_100 : memref<1x16x128xf32, #tpu.memory_space<hbm>> -> memref<16x128xf32, #tpu.memory_space<hbm>>
        %dma_start3A_102 = arith.constant 9984 : i32
        %dma_start3A_103 = arith.constant 0 : i32
        %dma_start3A_104 = tpu.memref_slice %arg13[%dma_start3A_102, %dma_start3A_103] : memref<10000x128xf32, #tpu.memory_space<vmem_shared>> -> memref<16x128xf32, #tpu.memory_space<vmem_shared>>
        tpu.enqueue_dma source(%dma_start3A_104 : memref<16x128xf32, #tpu.memory_space<vmem_shared>>) target(%dma_start3A_101 : memref<16x128xf32, #tpu.memory_space<hbm>>) target_semaphore(%run_scoped3A : memref<!tpu.dma_semaphore, #tpu.memory_space<semaphore_mem>>)
        %dma_wait3A_105 = arith.constant 9984 : i32
        %dma_wait3A_106 = arith.constant 0 : i32
        %dma_wait3A_107 = tpu.memref_slice %arg6[%arg0, %dma_wait3A_105, %dma_wait3A_106] : memref<2x10000x128xf32, #tpu.memory_space<hbm>> -> memref<1x16x128xf32, #tpu.memory_space<hbm>>
        %dma_wait3A_108 = tpu.memref_squeeze %dma_wait3A_107 : memref<1x16x128xf32, #tpu.memory_space<hbm>> -> memref<16x128xf32, #tpu.memory_space<hbm>>
        %dma_wait3A_109 = arith.constant 9984 : i32
        %dma_wait3A_110 = arith.constant 0 : i32
        %dma_wait3A_111 = tpu.memref_slice %arg13[%dma_wait3A_109, %dma_wait3A_110] : memref<10000x128xf32, #tpu.memory_space<vmem_shared>> -> memref<16x128xf32, #tpu.memory_space<vmem_shared>>
        tpu.wait_dma2 semaphore(%run_scoped3A : memref<!tpu.dma_semaphore, #tpu.memory_space<semaphore_mem>>) src(%dma_wait3A_111 : memref<16x128xf32, #tpu.memory_space<vmem_shared>>) dst(%dma_wait3A_108 : memref<16x128xf32, #tpu.memory_space<hbm>>)
        tpu.yield
      }) : () -> ()
    } else {
    }
    return
  }
}

module attributes {stable_mosaic.version = 14 : i64} {
  func.func @_prep_body(%arg0: memref<2500x128xi32, #tpu.memory_space<vmem>>, %arg1: memref<2500x128xi32, #tpu.memory_space<vmem>>, %arg2: memref<2500x128xi32, #tpu.memory_space<vmem>>, %arg3: memref<8x128xf32, #tpu.memory_space<vmem>>, %arg4: memref<8x128xf32, #tpu.memory_space<vmem>>, %arg5: memref<8x128xf32, #tpu.memory_space<vmem>>, %arg6: memref<2500x128xi32, #tpu.memory_space<vmem>>, %arg7: memref<512x128xf32, #tpu.memory_space<vmem>>) attributes {dimension_semantics = [], scalar_prefetch = 0 : i64, scratch_operands = 0 : i64, tpu.core_type = #tpu.core_type<tc>} {
    %get3A = arith.constant 0 : index
    %get3A_0 = arith.constant 0 : index
    %get3A_1 = vector.load %arg0[%get3A, %get3A_0] : memref<2500x128xi32, #tpu.memory_space<vmem>>, vector<2500x128xi32>
    %mul3A = arith.constant 64 : i32
    %mul3A_2 = vector.broadcast %mul3A : i32 to vector<2500x128xi32>
    %mul3A_3 = arith.muli %get3A_1, %mul3A_2 : vector<2500x128xi32>
    %get3A_4 = arith.constant 0 : index
    %get3A_5 = arith.constant 0 : index
    %get3A_6 = vector.load %arg1[%get3A_4, %get3A_5] : memref<2500x128xi32, #tpu.memory_space<vmem>>, vector<2500x128xi32>
    %mul3A_7 = arith.constant 8 : i32
    %mul3A_8 = vector.broadcast %mul3A_7 : i32 to vector<2500x128xi32>
    %mul3A_9 = arith.muli %get3A_6, %mul3A_8 : vector<2500x128xi32>
    %add3A = arith.addi %mul3A_3, %mul3A_9 : vector<2500x128xi32>
    %get3A_10 = arith.constant 0 : index
    %get3A_11 = arith.constant 0 : index
    %get3A_12 = vector.load %arg2[%get3A_10, %get3A_11] : memref<2500x128xi32, #tpu.memory_space<vmem>>, vector<2500x128xi32>
    %add3A_13 = arith.addi %add3A, %get3A_12 : vector<2500x128xi32>
    %swap3A = arith.constant 0 : index
    %swap3A_14 = arith.constant 0 : index
    %swap3A_15 = vector.load %arg6[%swap3A, %swap3A_14] : memref<2500x128xi32, #tpu.memory_space<vmem>>, vector<2500x128xi32>
    tpu.vector_store %arg6[%swap3A, %swap3A_14], %add3A_13 {strides = array<i32>} : memref<2500x128xi32, #tpu.memory_space<vmem>>, vector<2500x128xi32>,
    %get3A_16 = arith.constant 0 : index
    %get3A_17 = arith.constant 0 : index
    %get3A_18 = vector.load %arg4[%get3A_16, %get3A_17] : memref<8x128xf32, #tpu.memory_space<vmem>>, vector<8x128xf32>
    %broadcast_in_dim3A = vector.shape_cast %get3A_18 : vector<8x128xf32> to vector<8x1x128xf32>
    %get3A_19 = arith.constant 0 : index
    %get3A_20 = arith.constant 0 : index
    %get3A_21 = vector.load %arg5[%get3A_19, %get3A_20] : memref<8x128xf32, #tpu.memory_space<vmem>>, vector<8x128xf32>
    %broadcast_in_dim3A_22 = vector.shape_cast %get3A_21 : vector<8x128xf32> to vector<1x8x128xf32>
    %add3A_23 = vector.broadcast %broadcast_in_dim3A : vector<8x1x128xf32> to vector<8x8x128xf32>
    %add3A_24 = vector.broadcast %broadcast_in_dim3A_22 : vector<1x8x128xf32> to vector<8x8x128xf32>
    %add3A_25 = arith.addf %add3A_23, %add3A_24 : vector<8x8x128xf32>
    %reshape3A = vector.shape_cast %add3A_25 : vector<8x8x128xf32> to vector<64x128xf32>
    %get3A_26 = arith.constant 0 : index
    %get3A_27 = arith.constant 0 : index
    %get3A_28 = vector.load %arg3[%get3A_26, %get3A_27] : memref<8x128xf32, #tpu.memory_space<vmem>>, vector<8x128xf32>
    %broadcast_in_dim3A_29 = vector.shape_cast %get3A_28 : vector<8x128xf32> to vector<8x1x128xf32>
    %broadcast_in_dim3A_30 = vector.shape_cast %reshape3A : vector<64x128xf32> to vector<1x64x128xf32>
    %add3A_31 = vector.broadcast %broadcast_in_dim3A_29 : vector<8x1x128xf32> to vector<8x64x128xf32>
    %add3A_32 = vector.broadcast %broadcast_in_dim3A_30 : vector<1x64x128xf32> to vector<8x64x128xf32>
    %add3A_33 = arith.addf %add3A_31, %add3A_32 : vector<8x64x128xf32>
    %reshape3A_34 = vector.shape_cast %add3A_33 : vector<8x64x128xf32> to vector<512x128xf32>
    %swap3A_35 = arith.constant 0 : index
    %swap3A_36 = arith.constant 0 : index
    %swap3A_37 = vector.load %arg7[%swap3A_35, %swap3A_36] : memref<512x128xf32, #tpu.memory_space<vmem>>, vector<512x128xf32>
    tpu.vector_store %arg7[%swap3A_35, %swap3A_36], %reshape3A_34 {strides = array<i32>} : memref<512x128xf32, #tpu.memory_space<vmem>>, vector<512x128xf32>,
    return
  }
}

module attributes {stable_mosaic.version = 14 : i64} {
  func.func @_mlp_body(%arg0: i32, %arg1: memref<1x1xf32, #tpu.memory_space<vmem>>, %arg2: memref<1000x128xf32, #tpu.memory_space<vmem>>, %arg3: memref<1000x128xf32, #tpu.memory_space<vmem>>, %arg4: memref<1000x128xf32, #tpu.memory_space<vmem>>, %arg5: memref<128x256xf32, #tpu.memory_space<vmem>>, %arg6: memref<1x256xf32, #tpu.memory_space<vmem>>, %arg7: memref<1x256xf32, #tpu.memory_space<vmem>>, %arg8: memref<1x256xf32, #tpu.memory_space<vmem>>, %arg9: memref<256x128xf32, #tpu.memory_space<vmem>>, %arg10: memref<1x128xf32, #tpu.memory_space<vmem>>, %arg11: memref<1000x128xf32, #tpu.memory_space<vmem>>, %arg12: memref<10000x256xf32, #tpu.memory_space<vmem>>, %arg13: memref<8x256xf32, #tpu.memory_space<vmem>>) attributes {dimension_semantics = [#tpu.dimension_semantics<arbitrary>], iteration_bounds = array<i64: 20>, scalar_prefetch = 0 : i64, scratch_operands = 2 : i64, tpu.core_type = #tpu.core_type<tc>, window_params = [{pipeline_mode = #tpu.pipeline_mode<synchronous>, transform_indices = @transform_0, window_bounds = array<i64: 1, 1>}, {transform_indices = @transform_1, window_bounds = array<i64: 1000, 128>}, {transform_indices = @transform_2, window_bounds = array<i64: 1000, 128>}, {transform_indices = @transform_3, window_bounds = array<i64: 1000, 128>}, {pipeline_mode = #tpu.pipeline_mode<synchronous>, transform_indices = @transform_4, window_bounds = array<i64: 128, 256>}, {pipeline_mode = #tpu.pipeline_mode<synchronous>, transform_indices = @transform_5, window_bounds = array<i64: 1, 256>}, {pipeline_mode = #tpu.pipeline_mode<synchronous>, transform_indices = @transform_6, window_bounds = array<i64: 1, 256>}, {pipeline_mode = #tpu.pipeline_mode<synchronous>, transform_indices = @transform_7, window_bounds = array<i64: 1, 256>}, {pipeline_mode = #tpu.pipeline_mode<synchronous>, transform_indices = @transform_8, window_bounds = array<i64: 256, 128>}, {pipeline_mode = #tpu.pipeline_mode<synchronous>, transform_indices = @transform_9, window_bounds = array<i64: 1, 128>}, {transform_indices = @transform_10, window_bounds = array<i64: 1000, 128>}]} {
    %jit3A = arith.constant 10 : i32
    %eq3A = arith.constant 0 : i32
    %eq3A_0 = arith.cmpi eq, %jit3A, %eq3A : i32
    %jit3A_1 = arith.constant 1 : i32
    %select_n3A = arith.select %eq3A_0, %jit3A_1, %jit3A : i32
    %rem3A = arith.remsi %arg0, %select_n3A : i32
    %ne3A = arith.constant 0 : i32
    %ne3A_2 = arith.cmpi ne, %rem3A, %ne3A : i32
    %lt3A = arith.constant 0 : i32
    %lt3A_3 = arith.cmpi slt, %rem3A, %lt3A : i32
    %lt3A_4 = arith.constant 0 : i32
    %lt3A_5 = arith.cmpi slt, %select_n3A, %lt3A_4 : i32
    %ne3A_6 = arith.xori %lt3A_3, %lt3A_5 : i1
    %and3A = arith.andi %ne3A_6, %ne3A_2 : i1
    %add3A = arith.addi %rem3A, %select_n3A : i32
    %select_n3A_7 = arith.select %and3A, %add3A, %rem3A : i32
    %lt3A_8 = arith.constant 10 : i32
    %lt3A_9 = arith.cmpi slt, %arg0, %lt3A_8 : i32
    %convert_element_type3A = arith.extui %lt3A_9 : i1 to i32
    %cond3A = arith.constant 0 : i32
    %cond3A_10 = arith.cmpi ne, %convert_element_type3A, %cond3A : i32
    scf.if %cond3A_10 {
      %get3A = arith.constant 0 : index
      %get3A_15 = arith.constant 0 : index
      %get3A_16 = vector.load %arg1[%get3A, %get3A_15] : memref<1x1xf32, #tpu.memory_space<vmem>>, vector<1x1xf32>
      %get3A_17 = vector.extract %get3A_16[0, 0] : f32 from vector<1x1xf32>
      %add3A_18 = arith.constant 1.000000e+00 : f32
      %add3A_19 = arith.addf %add3A_18, %get3A_17 : f32
      %get3A_20 = arith.constant 0 : index
      %get3A_21 = arith.constant 0 : index
      %get3A_22 = vector.load %arg2[%get3A_20, %get3A_21] : memref<1000x128xf32, #tpu.memory_space<vmem>>, vector<1000x128xf32>
      %mul3A = vector.broadcast %add3A_19 : f32 to vector<1000x128xf32>
      %mul3A_23 = arith.mulf %mul3A, %get3A_22 : vector<1000x128xf32>
      %get3A_24 = arith.constant 0 : index
      %get3A_25 = arith.constant 0 : index
      %get3A_26 = vector.load %arg3[%get3A_24, %get3A_25] : memref<1000x128xf32, #tpu.memory_space<vmem>>, vector<1000x128xf32>
      %add3A_27 = arith.addf %mul3A_23, %get3A_26 : vector<1000x128xf32>
      %get3A_28 = arith.constant 0 : index
      %get3A_29 = arith.constant 0 : index
      %get3A_30 = vector.load %arg4[%get3A_28, %get3A_29] : memref<1000x128xf32, #tpu.memory_space<vmem>>, vector<1000x128xf32>
      %add3A_31 = arith.addf %add3A_27, %get3A_30 : vector<1000x128xf32>
      %get3A_32 = arith.constant 0 : index
      %get3A_33 = arith.constant 0 : index
      %get3A_34 = vector.load %arg5[%get3A_32, %get3A_33] : memref<128x256xf32, #tpu.memory_space<vmem>>, vector<128x256xf32>
      %dot_general3A = arith.constant dense<0.000000e+00> : vector<1000x256xf32>
      %dot_general3A_35 = tpu.matmul %add3A_31, %get3A_34, %dot_general3A {dimension_numbers = #tpu.dot_dimension_numbers<[1], [0], [0], [1], [0, 0, 1, 1], [], []>, transpose_lhs_hint = false} : vector<1000x128xf32>, vector<128x256xf32>, vector<1000x256xf32> -> vector<1000x256xf32>
      %get3A_36 = arith.constant 0 : index
      %get3A_37 = arith.constant 0 : index
      %get3A_38 = vector.load %arg6[%get3A_36, %get3A_37] : memref<1x256xf32, #tpu.memory_space<vmem>>, vector<1x256xf32>
      %add3A_39 = vector.broadcast %get3A_38 : vector<1x256xf32> to vector<1000x256xf32>
      %add3A_40 = arith.addf %dot_general3A_35, %add3A_39 : vector<1000x256xf32>
      %mul3A_41 = arith.constant 1000 : i32
      %mul3A_42 = arith.muli %select_n3A_7, %mul3A_41 : i32
      %swap3A = arith.index_cast %mul3A_42 : i32 to index
      %swap3A_43 = arith.constant 0 : index
      %swap3A_44 = vector.load %arg12[%swap3A, %swap3A_43] : memref<10000x256xf32, #tpu.memory_space<vmem>>, vector<1000x256xf32>
      tpu.vector_store %arg12[%swap3A, %swap3A_43], %add3A_40 {strides = array<i32>} : memref<10000x256xf32, #tpu.memory_space<vmem>>, vector<1000x256xf32>,
      %eq3A_45 = arith.constant 0 : i32
      %eq3A_46 = arith.cmpi eq, %arg0, %eq3A_45 : i32
      %convert_element_type3A_47 = arith.extui %eq3A_46 : i1 to i32
      %cond3A_48 = arith.constant 0 : i32
      %cond3A_49 = arith.cmpi ne, %convert_element_type3A_47, %cond3A_48 : i32
      scf.if %cond3A_49 {
        %broadcast_in_dim3A_69 = arith.constant 0.000000e+00 : f32
        %broadcast_in_dim3A_70 = vector.broadcast %broadcast_in_dim3A_69 : f32 to vector<8x256xf32>
        %swap3A_71 = arith.constant 0 : index
        %swap3A_72 = arith.constant 0 : index
        %swap3A_73 = vector.load %arg13[%swap3A_71, %swap3A_72] : memref<8x256xf32, #tpu.memory_space<vmem>>, vector<8x256xf32>
        tpu.vector_store %arg13[%swap3A_71, %swap3A_72], %broadcast_in_dim3A_70 {strides = array<i32>} : memref<8x256xf32, #tpu.memory_space<vmem>>, vector<8x256xf32>,
      } else {
      }
      %get3A_50 = arith.constant 0 : index
      %get3A_51 = arith.constant 0 : index
      %get3A_52 = vector.load %arg13[%get3A_50, %get3A_51] : memref<8x256xf32, #tpu.memory_space<vmem>>, vector<1x256xf32>
      %reduce_sum3A = arith.constant dense<0.000000e+00> : vector<256xf32>
      %reduce_sum3A_53 = vector.multi_reduction <add>, %add3A_40, %reduce_sum3A [0] : vector<1000x256xf32> to vector<256xf32>
      %broadcast_in_dim3A = vector.shape_cast %reduce_sum3A_53 : vector<256xf32> to vector<1x256xf32>
      %add3A_54 = arith.addf %get3A_52, %broadcast_in_dim3A : vector<1x256xf32>
      %swap3A_55 = arith.constant 0 : index
      %swap3A_56 = arith.constant 0 : index
      %swap3A_57 = vector.load %arg13[%swap3A_55, %swap3A_56] : memref<8x256xf32, #tpu.memory_space<vmem>>, vector<1x256xf32>
      tpu.vector_store %arg13[%swap3A_55, %swap3A_56], %add3A_54 {strides = array<i32>} : memref<8x256xf32, #tpu.memory_space<vmem>>, vector<1x256xf32>,
      %get3A_58 = arith.constant 1 : index
      %get3A_59 = arith.constant 0 : index
      %get3A_60 = vector.load %arg13[%get3A_58, %get3A_59] : memref<8x256xf32, #tpu.memory_space<vmem>>, vector<1x256xf32>
      %mul3A_61 = arith.mulf %add3A_40, %add3A_40 : vector<1000x256xf32>
      %reduce_sum3A_62 = arith.constant dense<0.000000e+00> : vector<256xf32>
      %reduce_sum3A_63 = vector.multi_reduction <add>, %mul3A_61, %reduce_sum3A_62 [0] : vector<1000x256xf32> to vector<256xf32>
      %broadcast_in_dim3A_64 = vector.shape_cast %reduce_sum3A_63 : vector<256xf32> to vector<1x256xf32>
      %add3A_65 = arith.addf %get3A_60, %broadcast_in_dim3A_64 : vector<1x256xf32>
      %swap3A_66 = arith.constant 1 : index
      %swap3A_67 = arith.constant 0 : index
      %swap3A_68 = vector.load %arg13[%swap3A_66, %swap3A_67] : memref<8x256xf32, #tpu.memory_space<vmem>>, vector<1x256xf32>
      tpu.vector_store %arg13[%swap3A_66, %swap3A_67], %add3A_65 {strides = array<i32>} : memref<8x256xf32, #tpu.memory_space<vmem>>, vector<1x256xf32>,
    } else {
    }
    %ge3A = arith.constant 10 : i32
    %ge3A_11 = arith.cmpi sge, %arg0, %ge3A : i32
    %convert_element_type3A_12 = arith.extui %ge3A_11 : i1 to i32
    %cond3A_13 = arith.constant 0 : i32
    %cond3A_14 = arith.cmpi ne, %convert_element_type3A_12, %cond3A_13 : i32
    scf.if %cond3A_14 {
      %get3A = arith.constant 0 : index
      %get3A_15 = arith.constant 0 : index
      %get3A_16 = vector.load %arg13[%get3A, %get3A_15] : memref<8x256xf32, #tpu.memory_space<vmem>>, vector<1x256xf32>
      %mul3A = arith.constant 9.99999974E-5 : f32
      %mul3A_17 = vector.broadcast %mul3A : f32 to vector<1x256xf32>
      %mul3A_18 = arith.mulf %get3A_16, %mul3A_17 : vector<1x256xf32>
      %get3A_19 = arith.constant 1 : index
      %get3A_20 = arith.constant 0 : index
      %get3A_21 = vector.load %arg13[%get3A_19, %get3A_20] : memref<8x256xf32, #tpu.memory_space<vmem>>, vector<1x256xf32>
      %mul3A_22 = arith.constant 9.99999974E-5 : f32
      %mul3A_23 = vector.broadcast %mul3A_22 : f32 to vector<1x256xf32>
      %mul3A_24 = arith.mulf %get3A_21, %mul3A_23 : vector<1x256xf32>
      %mul3A_25 = arith.mulf %mul3A_18, %mul3A_18 : vector<1x256xf32>
      %sub3A = arith.subf %mul3A_24, %mul3A_25 : vector<1x256xf32>
      %get3A_26 = arith.constant 0 : index
      %get3A_27 = arith.constant 0 : index
      %get3A_28 = vector.load %arg7[%get3A_26, %get3A_27] : memref<1x256xf32, #tpu.memory_space<vmem>>, vector<1x256xf32>
      %add3A_29 = arith.constant 9.99999974E-6 : f32
      %add3A_30 = vector.broadcast %add3A_29 : f32 to vector<1x256xf32>
      %add3A_31 = arith.addf %sub3A, %add3A_30 : vector<1x256xf32>
      %rsqrt3A = math.rsqrt %add3A_31 : vector<1x256xf32>
      %mul3A_32 = arith.mulf %get3A_28, %rsqrt3A : vector<1x256xf32>
      %mul3A_33 = arith.constant 1000 : i32
      %mul3A_34 = arith.muli %select_n3A_7, %mul3A_33 : i32
      %get3A_35 = arith.index_cast %mul3A_34 : i32 to index
      %get3A_36 = arith.constant 0 : index
      %get3A_37 = vector.load %arg12[%get3A_35, %get3A_36] : memref<10000x256xf32, #tpu.memory_space<vmem>>, vector<1000x256xf32>
      %sub3A_38 = vector.broadcast %mul3A_18 : vector<1x256xf32> to vector<1000x256xf32>
      %sub3A_39 = arith.subf %get3A_37, %sub3A_38 : vector<1000x256xf32>
      %mul3A_40 = vector.broadcast %mul3A_32 : vector<1x256xf32> to vector<1000x256xf32>
      %mul3A_41 = arith.mulf %sub3A_39, %mul3A_40 : vector<1000x256xf32>
      %get3A_42 = arith.constant 0 : index
      %get3A_43 = arith.constant 0 : index
      %get3A_44 = vector.load %arg8[%get3A_42, %get3A_43] : memref<1x256xf32, #tpu.memory_space<vmem>>, vector<1x256xf32>
      %add3A_45 = vector.broadcast %get3A_44 : vector<1x256xf32> to vector<1000x256xf32>
      %add3A_46 = arith.addf %mul3A_41, %add3A_45 : vector<1000x256xf32>
      %max3A = arith.constant 0.000000e+00 : f32
      %max3A_47 = vector.broadcast %max3A : f32 to vector<1000x256xf32>
      %max3A_48 = arith.maximumf %add3A_46, %max3A_47 : vector<1000x256xf32>
      %get3A_49 = arith.constant 0 : index
      %get3A_50 = arith.constant 0 : index
      %get3A_51 = vector.load %arg9[%get3A_49, %get3A_50] : memref<256x128xf32, #tpu.memory_space<vmem>>, vector<256x128xf32>
      %dot_general3A = arith.constant dense<0.000000e+00> : vector<1000x128xf32>
      %dot_general3A_52 = tpu.matmul %max3A_48, %get3A_51, %dot_general3A {dimension_numbers = #tpu.dot_dimension_numbers<[1], [0], [0], [1], [0, 0, 1, 1], [], []>, transpose_lhs_hint = false} : vector<1000x256xf32>, vector<256x128xf32>, vector<1000x128xf32> -> vector<1000x128xf32>
      %get3A_53 = arith.constant 0 : index
      %get3A_54 = arith.constant 0 : index
      %get3A_55 = vector.load %arg10[%get3A_53, %get3A_54] : memref<1x128xf32, #tpu.memory_space<vmem>>, vector<1x128xf32>
      %add3A_56 = vector.broadcast %get3A_55 : vector<1x128xf32> to vector<1000x128xf32>
      %add3A_57 = arith.addf %dot_general3A_52, %add3A_56 : vector<1000x128xf32>
      %swap3A = arith.constant 0 : index
      %swap3A_58 = arith.constant 0 : index
      %swap3A_59 = vector.load %arg11[%swap3A, %swap3A_58] : memref<1000x128xf32, #tpu.memory_space<vmem>>, vector<1000x128xf32>
      tpu.vector_store %arg11[%swap3A, %swap3A_58], %add3A_57 {strides = array<i32>} : memref<1000x128xf32, #tpu.memory_space<vmem>>, vector<1000x128xf32>,
    } else {
    }
    return
  }
  func.func @transform_0(%arg0: i32) -> (i32, i32) {
    %c0_i32 = arith.constant 0 : i32
    %c0_i32_0 = arith.constant 0 : i32
    %c0_i32_1 = arith.constant 0 : i32
    return %c0_i32, %c0_i32_0 : i32, i32
  }
  func.func @transform_1(%arg0: i32) -> (i32, i32) {
    %jit3A = arith.constant 10 : i32
    %eq3A = arith.constant 0 : i32
    %eq3A_0 = arith.cmpi eq, %jit3A, %eq3A : i32
    %jit3A_1 = arith.constant 1 : i32
    %select_n3A = arith.select %eq3A_0, %jit3A_1, %jit3A : i32
    %rem3A = arith.remsi %arg0, %select_n3A : i32
    %ne3A = arith.constant 0 : i32
    %ne3A_2 = arith.cmpi ne, %rem3A, %ne3A : i32
    %lt3A = arith.constant 0 : i32
    %lt3A_3 = arith.cmpi slt, %rem3A, %lt3A : i32
    %lt3A_4 = arith.constant 0 : i32
    %lt3A_5 = arith.cmpi slt, %select_n3A, %lt3A_4 : i32
    %ne3A_6 = arith.xori %lt3A_3, %lt3A_5 : i1
    %and3A = arith.andi %ne3A_6, %ne3A_2 : i1
    %add3A = arith.addi %rem3A, %select_n3A : i32
    %select_n3A_7 = arith.select %and3A, %add3A, %rem3A : i32
    %c0_i32 = arith.constant 0 : i32
    %c0_i32_8 = arith.constant 0 : i32
    return %select_n3A_7, %c0_i32 : i32, i32
  }
  func.func @transform_2(%arg0: i32) -> (i32, i32) {
    %jit3A = arith.constant 10 : i32
    %eq3A = arith.constant 0 : i32
    %eq3A_0 = arith.cmpi eq, %jit3A, %eq3A : i32
    %jit3A_1 = arith.constant 1 : i32
    %select_n3A = arith.select %eq3A_0, %jit3A_1, %jit3A : i32
    %rem3A = arith.remsi %arg0, %select_n3A : i32
    %ne3A = arith.constant 0 : i32
    %ne3A_2 = arith.cmpi ne, %rem3A, %ne3A : i32
    %lt3A = arith.constant 0 : i32
    %lt3A_3 = arith.cmpi slt, %rem3A, %lt3A : i32
    %lt3A_4 = arith.constant 0 : i32
    %lt3A_5 = arith.cmpi slt, %select_n3A, %lt3A_4 : i32
    %ne3A_6 = arith.xori %lt3A_3, %lt3A_5 : i1
    %and3A = arith.andi %ne3A_6, %ne3A_2 : i1
    %add3A = arith.addi %rem3A, %select_n3A : i32
    %select_n3A_7 = arith.select %and3A, %add3A, %rem3A : i32
    %c0_i32 = arith.constant 0 : i32
    %c0_i32_8 = arith.constant 0 : i32
    return %select_n3A_7, %c0_i32 : i32, i32
  }
  func.func @transform_3(%arg0: i32) -> (i32, i32) {
    %jit3A = arith.constant 10 : i32
    %eq3A = arith.constant 0 : i32
    %eq3A_0 = arith.cmpi eq, %jit3A, %eq3A : i32
    %jit3A_1 = arith.constant 1 : i32
    %select_n3A = arith.select %eq3A_0, %jit3A_1, %jit3A : i32
    %rem3A = arith.remsi %arg0, %select_n3A : i32
    %ne3A = arith.constant 0 : i32
    %ne3A_2 = arith.cmpi ne, %rem3A, %ne3A : i32
    %lt3A = arith.constant 0 : i32
    %lt3A_3 = arith.cmpi slt, %rem3A, %lt3A : i32
    %lt3A_4 = arith.constant 0 : i32
    %lt3A_5 = arith.cmpi slt, %select_n3A, %lt3A_4 : i32
    %ne3A_6 = arith.xori %lt3A_3, %lt3A_5 : i1
    %and3A = arith.andi %ne3A_6, %ne3A_2 : i1
    %add3A = arith.addi %rem3A, %select_n3A : i32
    %select_n3A_7 = arith.select %and3A, %add3A, %rem3A : i32
    %c0_i32 = arith.constant 0 : i32
    %c0_i32_8 = arith.constant 0 : i32
    return %select_n3A_7, %c0_i32 : i32, i32
  }
  func.func @transform_4(%arg0: i32) -> (i32, i32) {
    %c0_i32 = arith.constant 0 : i32
    %c0_i32_0 = arith.constant 0 : i32
    %c0_i32_1 = arith.constant 0 : i32
    return %c0_i32, %c0_i32_0 : i32, i32
  }
  func.func @transform_5(%arg0: i32) -> (i32, i32) {
    %c0_i32 = arith.constant 0 : i32
    %c0_i32_0 = arith.constant 0 : i32
    %c0_i32_1 = arith.constant 0 : i32
    return %c0_i32, %c0_i32_0 : i32, i32
  }
  func.func @transform_6(%arg0: i32) -> (i32, i32) {
    %c0_i32 = arith.constant 0 : i32
    %c0_i32_0 = arith.constant 0 : i32
    %c0_i32_1 = arith.constant 0 : i32
    return %c0_i32, %c0_i32_0 : i32, i32
  }
  func.func @transform_7(%arg0: i32) -> (i32, i32) {
    %c0_i32 = arith.constant 0 : i32
    %c0_i32_0 = arith.constant 0 : i32
    %c0_i32_1 = arith.constant 0 : i32
    return %c0_i32, %c0_i32_0 : i32, i32
  }
  func.func @transform_8(%arg0: i32) -> (i32, i32) {
    %c0_i32 = arith.constant 0 : i32
    %c0_i32_0 = arith.constant 0 : i32
    %c0_i32_1 = arith.constant 0 : i32
    return %c0_i32, %c0_i32_0 : i32, i32
  }
  func.func @transform_9(%arg0: i32) -> (i32, i32) {
    %c0_i32 = arith.constant 0 : i32
    %c0_i32_0 = arith.constant 0 : i32
    %c0_i32_1 = arith.constant 0 : i32
    return %c0_i32, %c0_i32_0 : i32, i32
  }
  func.func @transform_10(%arg0: i32) -> (i32, i32) {
    %jit3A = arith.constant 10 : i32
    %eq3A = arith.constant 0 : i32
    %eq3A_0 = arith.cmpi eq, %jit3A, %eq3A : i32
    %jit3A_1 = arith.constant 1 : i32
    %select_n3A = arith.select %eq3A_0, %jit3A_1, %jit3A : i32
    %rem3A = arith.remsi %arg0, %select_n3A : i32
    %ne3A = arith.constant 0 : i32
    %ne3A_2 = arith.cmpi ne, %rem3A, %ne3A : i32
    %lt3A = arith.constant 0 : i32
    %lt3A_3 = arith.cmpi slt, %rem3A, %lt3A : i32
    %lt3A_4 = arith.constant 0 : i32
    %lt3A_5 = arith.cmpi slt, %select_n3A, %lt3A_4 : i32
    %ne3A_6 = arith.xori %lt3A_3, %lt3A_5 : i1
    %and3A = arith.andi %ne3A_6, %ne3A_2 : i1
    %add3A = arith.addi %rem3A, %select_n3A : i32
    %select_n3A_7 = arith.select %and3A, %add3A, %rem3A : i32
    %c0_i32 = arith.constant 0 : i32
    %c0_i32_8 = arith.constant 0 : i32
    return %select_n3A_7, %c0_i32 : i32, i32
  }
}

</mosaic_0001>

<sc_bundles>
// kernel: kernel.5.cloned.1.call-start
scs
__scs_entry_jumppad:
0x0: {  	(pc) =	sbr.rel $0x88, $3  }
0x1: {  	(tag) =	ssettag $0x0;
	lr =	simm.s32 $0x1  }
0x2: {  	[smem:$0x3F94] =	sst lr;
	_ =	strace $0xD0000000  }
0x3: {  	_ = 	snop  }
0x4: {  	_ = 	snop  }
0x5: {  	_ = 	snop  }
0x6: {  	_ = 	snop  }
0x7: {  	_ = 	snop  }
__scs_overlays_trampoline_lowered:
0x8: {  	[smem:$0x3FA3] =	sst s0  }
0x9: {  	[smem:$0x3FA4] =	sst s1  }
0xa: {  	[smem:$0x3FA5] =	sst s2  }
0xb: {  	[smem:$0x3FA6] =	sst s3  }
0xc: {  	[smem:$0x3FA7] =	sst s4  }
0xd: {  	[smem:$0x3FA8] =	sst s5  }
0xe: {  	[smem:$0x3FA9] =	sst s6  }
0xf: {  	[smem:$0x3FAA] =	sst s7  }
0x10: {  	[smem:$0x3FAB] =	sst s8  }
0x11: {  	[smem:$0x3FAC] =	sst s9;
	s0 =	simm.s32 @!p0 $0x0  }
0x12: {  	s1 =	sld [smem:$0x3F92];
	s0 =	simm.s32 @p0 $0x1  }
0x13: {  	[smem:$0x3FAD] =	sst s0;
	s0 =	simm.s32 @!p1 $0x0  }
0x14: {  	s2 =	sld [smem:$0x3F91];
	s0 =	simm.s32 @p1 $0x1  }
0x15: {  	[smem:$0x3FAE] =	sst s0;
	s0 =	simm.s32 @!p2 $0x0  }
0x16: {  	s3 =	sld [smem:$0x3FDB];
	s0 =	simm.s32 @p2 $0x1  }
0x17: {  	s4 =	simm.s32 $0x1BF5;
	[smem:$0x3FB0] =	sst s0  }
0x18: {  	s0 =	sld [smem:$0x3F93];
	_ =	swait.ge [sflag:s4], $0x0  }
0x19: {  	s7 =	sld [smem:$0x3F94]  }
0x1a: {  	s8 =	sadd.s32 $0xFFFFE003, lr  }
0x1b: {  	s9 =	sadd.s32 $0xFFFFFEF7, lr;
	s5 =	simm.s32 $0xFFFFFFFF;
	p2 =	slt.u32 s8, $0xFFFFF086  }
0x1c: {  	p1 =	slt.u32 s9, $0xF7A;
	s5 =	simm.s32 @!p2 $0x0  }
0x1d: {  	s5 =	simm.s32 @p1 $0x1;
	p0 =	seq.s32 s7, s2  }
0x1e: {  	s7 =	smul.u32 @!p0 $0xF7A, s2;
	p2 =	seq.s32 @!p0 s5, $0x0  }
0x1f: {  	s9 =	smul.u32 $0xF7A, s1;
	s8 =	simm.s32 @!p0 $0x1BF5;
	p2 =	por !p2, p0  }
0x20: {  	[sflag:s8] =	ssyncset.s32 @!p0 $0xFFFFF086;
	s6 =	sadd.s32 @!p0 s3, s7;
	s7 =	simm.s32 @!p0 $0x108  }
0x21: {  	s3 =	sadd.s32 s3, s9;
	s6 =	sadd.s32 @!p0 $0x88, s6;
	s7 =	simm.s32 @p2 $0x1082  }
0x22: {  	[simem:s7], [sflag:s8] =	dma.local @!p0 [hbm:s6], $0xF7A  }
0x23: {  	s9 =	sor.u32 $0xD0000000, s2;
	s6 =	simm.s32 $0x108;
	_ =	swait.ge @!p0 [sflag:s8], $0x0  }
0x24: {  	s3 =	sadd.s32 $0x88, s3;
	s6 =	simm.s32 @!p1 $0x1082;
	[sflag:s4] =	ssyncset.s32 $0xFFFFF086  }
0x25: {  	[simem:s6], [sflag:s4] =	dma.local [hbm:s3], $0xF7A  }
0x26: {  	[smem:$0x3F94] =	sst s1;
	(tag) =	ssettag s2;
	_ =	strace s9  }
0x27: {  	s1 =	sld [smem:$0x3FA4]  }
0x28: {  	s2 =	sld [smem:$0x3FA5]  }
0x29: {  	s4 =	sld [smem:$0x3FA7]  }
0x2a: {  	p0 =	seq.s32 s5, $0x0;
	s5 =	sld [smem:$0x3FA8]  }
0x2b: {  	s6 =	sld [smem:$0x3FA9]  }
0x2c: {  	s7 =	sld [smem:$0x3FAA]  }
0x2d: {  	s3 =	simm.s32 $0x108;
	s8 =	sld [smem:$0x3FAB]  }
0x2e: {  	s3 =	simm.s32 @!p0 $0x1082;
	s9 =	sld [smem:$0x3FAC]  }
0x2f: {  	lr =	sadd.s32 s0, s3;
	s0 =	sld [smem:$0x3FA3]  }
0x30: {  	s3 =	sld [smem:$0x3FA6]  }
0x31: {  	[smem:$0x3FAF] =	sst s10  }
0x32: {  	s10 =	sld [smem:$0x3FAD];
	_ =	sdelay $0x3  }
0x33: {  	p0 =	seq.s32 s10, $0x1;
	s10 =	sld [smem:$0x3FAF];
	_ =	sdelay $0x3  }
0x34: {  	[smem:$0x3FAF] =	sst s10  }
0x35: {  	s10 =	sld [smem:$0x3FAE];
	_ =	sdelay $0x3  }
0x36: {  	p1 =	seq.s32 s10, $0x1;
	s10 =	sld [smem:$0x3FAF];
	_ =	sdelay $0x3  }
0x37: {  	[smem:$0x3FAF] =	sst s10  }
0x38: {  	s10 =	sld [smem:$0x3FB0]  }
0x39: {  	_ = 	snop;
	(pc) =	sbr.ind lr, $3  }
0x3a: {  	_ = 	snop  }
0x3b: {  	_ = 	snop  }
0x3c: {  	p2 =	seq.s32 s10, $0x1;
	s10 =	sld [smem:$0x3FAF]  }
0x3d: {  	_ =	shalt  }
0x3e: {  	_ =	shalt  }
0x3f: {  	_ =	shalt  }
0x40: {  	_ =	shalt  }
0x41: {  	_ =	shalt  }
0x42: {  	_ =	shalt  }
0x43: {  	_ =	shalt  }
0x44: {  	_ =	shalt  }
0x45: {  	_ =	shalt  }
0x46: {  	_ =	shalt  }
0x47: {  	_ =	shalt  }
0x48: {  	_ =	shalt  }
0x49: {  	_ =	shalt  }
0x4a: {  	_ =	shalt  }
0x4b: {  	_ =	shalt  }
0x4c: {  	_ =	shalt  }
0x4d: {  	_ =	shalt  }
0x4e: {  	_ =	shalt  }
0x4f: {  	_ =	shalt  }
0x50: {  	_ =	shalt  }
0x51: {  	_ =	shalt  }
0x52: {  	_ =	shalt  }
0x53: {  	_ =	shalt  }
0x54: {  	_ =	shalt  }
0x55: {  	_ =	shalt  }
0x56: {  	_ =	shalt  }
0x57: {  	_ =	shalt  }
0x58: {  	_ =	shalt  }
0x59: {  	_ =	shalt  }
0x5a: {  	_ =	shalt  }
0x5b: {  	_ =	shalt  }
0x5c: {  	_ =	shalt  }
0x5d: {  	_ =	shalt  }
0x5e: {  	_ =	shalt  }
0x5f: {  	_ =	shalt  }
0x60: {  	_ =	shalt  }
0x61: {  	_ =	shalt  }
0x62: {  	_ =	shalt  }
0x63: {  	_ =	shalt  }
0x64: {  	_ =	shalt  }
0x65: {  	_ =	shalt  }
0x66: {  	_ =	shalt  }
0x67: {  	_ =	shalt  }
0x68: {  	_ =	shalt  }
0x69: {  	_ =	shalt  }
0x6a: {  	_ =	shalt  }
0x6b: {  	_ =	shalt  }
0x6c: {  	_ =	shalt  }
0x6d: {  	_ =	shalt  }
0x6e: {  	_ =	shalt  }
0x6f: {  	_ =	shalt  }
0x70: {  	_ =	shalt  }
0x71: {  	_ =	shalt  }
0x72: {  	_ =	shalt  }
0x73: {  	_ =	shalt  }
0x74: {  	_ =	shalt  }
0x75: {  	_ =	shalt  }
0x76: {  	_ =	shalt  }
0x77: {  	_ =	shalt  }
0x78: {  	_ =	shalt  }
0x79: {  	_ =	shalt  }
0x7a: {  	_ =	shalt  }
0x7b: {  	_ =	shalt  }
0x7c: {  	_ =	shalt  }
0x7d: {  	_ =	shalt  }
0x7e: {  	_ =	shalt  }
0x7f: {  	_ =	shalt  }
0x80: {  	_ =	shalt  }
0x81: {  	_ =	shalt  }
0x82: {  	_ =	shalt  }
0x83: {  	_ =	shalt  }
0x84: {  	_ =	shalt  }
0x85: {  	_ =	shalt  }
0x86: {  	_ =	shalt  }
0x87: {  	_ =	shalt  }
.Lfunc_end0:
.L_simem_size_0:
called_computation_lowered:
.L_overlay_start_0:
0x88: {  	s2 =	sld [smem:$0x3FD9]  }
0x89: {  	s3 =	sld [smem:$0x3FFE];
	_ =	sdelay $0x1  }
0x8a: {  	s1 =	srdreg.scid  }
0x8b: {  	s0 =	sand.u32 $0x1, s1  }
0x8c: {  	s17 =	sshll.u32 s0, $0xA;
	s2 =	sadd.s32 s3, s2  }
0x8d: {  	s2 =	sadd.s32 s2, s17  }
0x8e: {  	[smem:$0x3FBB] =	sst s2  }
0x8f: {  	_ = 	snop  }
0x90: {  	s2 =	sld [smem:$0x3FC9]  }
0x91: {  	s18 =	sld [smem:$0x3FD0];
	(tm) =	ssettm $0x1  }
0x92: {  	s4 =	sld [smem:$0x3FFB];
	_ =	sdelay $0x3  }
0x93: {  	_ =	strace s4  }
0x94: {  	s4 =	sld [smem:$0x3FFC];
	_ =	sdelay $0x3  }
0x95: {  	_ =	strace s4  }
0x96: {  	s4 =	sld [smem:$0x3FFD];
	_ =	sdelay $0x3  }
0x97: {  	_ =	strace s4  }
0x98: {  	_ =	strace $0x8FFFFFFF  }
0x99: {  	s19 =	sld [smem:$0x3FDB];
	_ =	sdelay $0x1  }
0x9a: {  	s5 =	simm.s32 $_scs_section_size  }
0x9b: {  	s6 =	simm.s32 $_size__tile_overlayer_lowered;
	s7 =	simm.s32 $_tile_overlayer_lowered  }
0x9c: {  	s22 =	simm.s32 $0x1BFF;
	s21 =	sshll.u32 s7, $0x1;
	s4 =	sadd.s32 s5, s19  }
0x9d: {  	s8 =	simm.s32 $0x0;
	s20 =	sshll.u32 s6, $0x1;
	s6 =	sadd.s32 s21, s4  }
0x9e: {  	[timem:s8], [sflag:s22] =	dma.local [hbm:s6], s20  }
0x9f: {  	_ =	swait.ge [sflag:s22], s20  }
0xa0: {  	s5 =	ssub.s32 $0x0, s20;
	[sflag:s22] =	ssyncset.done $0x0  }
0xa1: {  	[sflag:s22] =	ssyncadd.s32 s5;
	_ =	sdelay $0x1  }
0xa2: {  	s23 =	simm.s32 $0x1B8B  }
0xa3: {  	_ =	swait.ge [sflag:s23], $0x1  }
0xa4: {  	[sflag:s23] =	ssyncset.done $0x0  }
0xa5: {  	s25 =	simm.s32 $0x1B8E;
	s24 =	sld [smem:$0x3FFE];
	[sflag:s23] =	ssyncadd.s32 $0xFFFFFFFF  }
0xa6: {  	s26 =	simm.s32 $execute0_lowered;
	[smem:$0x3FD2] =	sst s25  }
0xa7: {  	s6 =	sshll.u32 s26, $0x1;
	_ =	strace $0x80000046;
	[dreg:$0x1] =	wrdreg $0xFFFFFFFF  }
0xa8: {  	s28 =	simm.s32 $_size_execute0_lowered;
	s4 =	sadd.s32 s4, s6;
	[dreg:$0x0] =	wrdreg $0x0  }
0xa9: {  	s6 =	sshll.u32 s28, $0x1;
	[dreg:$0x2] =	wrdreg s4  }
0xaa: {  	[dreg:$0x3] =	wrdreg s6  }
0xab: {  	[dreg:$0x4] =	wrdreg $0xC0  }
0xac: {  	_ =	task [dreg:s8], $0x5FFFF  }
0xad: {  	[dreg:$0x1] =	wrdreg $0xFFFFFFFF  }
0xae: {  	[dreg:$0x0] =	wrdreg $0x60  }
0xaf: {  	[dreg:$0x2] =	wrdreg s2  }
0xb0: {  	[dreg:$0x3] =	wrdreg s24  }
0xb1: {  	[dreg:$0x4] =	wrdreg s18  }
0xb2: {  	[dreg:$0x5] =	wrdreg $0x9E000  }
0xb3: {  	[dreg:$0x6] =	wrdreg $0x1D6800  }
0xb4: {  	[dreg:$0x7] =	wrdreg $0x9  }
0xb5: {  	_ =	task.clear_ibuf [dreg:s8], $0x8FFFF;
	_ =	strace $0x90000046  }
0xb6: {  	s29 =	simm.s32 $0x9;
	_ =	strace $0x80000048  }
0xb7: {  	_ =	swait.ge [sflag:s29], $0x1  }
0xb8: {  	[sflag:s29] =	ssyncadd.s32 $0xFFFFFFFF  }
0xb9: {  	_ =	strace $0x90000048  }
0xba: {  	_ =	sfence  }
0xbb: {  	s30 =	sld [smem:$0x0];
	_ =	sdelay $0x2  }
0xbc: {  	s31 =	sshll.u32 s1, $0xD;
	s1 =	sshrl.u32 s1, $0x2  }
0xbd: {  	s3 =	sand.u32 $0x4000, s31;
	s1 =	sadd.s32 s1, s30  }
0xbe: {  	s0 =	sor.u32 s3, s0;
	s1 =	sshll.u32 s1, $0x11  }
0xbf: {  	s0 =	sor.u32 s1, s0  }
0xc0: {  	s0 =	sadd.s32 $0x8F2B, s0  }
0xc1: {  	[sflag:s0] =	ssyncadd.remote.s32 $0x1  }
0xc2: {  	_ =	sfence.sel $0xFFFF  }
0xc3: {  	[dreg:$0x0] =	wrdreg $0xFFFFFFFF;
	(pc) =	sbr.abs _section_cstart, $3  }
0xc4: {  	[dreg:$0x1] =	wrdreg $0xFFFFFFFF  }
0xc5: {  	_ =	task.clear_ibuf [dreg:s8], $0x2FFFF;
	_ =	strace $0x9FFFFFFF  }
0xc6: {  	(tm) =	ssettm $0x7FFFFFFF  }
0xc7: {  	_ =	shalt  }
tec
execute0_lowered:
.L_overlay_start_1:
0x0: {  	(tag) =	ssettag $0x1  }
0x1: {  	s1 =	rddreg [dreg:$0x0]  }
0x2: {  	s0 =	rddreg [dreg:$0x1]  }
0x3: {  	s2 =	rddreg [dreg:$0x2]  }
0x4: {  	s3 =	rddreg [dreg:$0x3];
	s12 =	stileid.u32  }
0x5: {  	s4 =	rddreg [dreg:$0x4];
	s5 =	simm.s32 $0x0;
	s8 =	smul.u32 $0x4E000, s12  }
0x6: {  	s6 =	srdreg.scid;
	s14 =	simm.s32 $0x8A00;
	[smem:$0x7FF] =	sst s5  }
0x7: {  	s7 =	sadd.s32 $0x2E00, s0;
	s9 =	sadd.s32 $0xE00, s0;
	s8 =	sshrl.u32 s8, $0x2  }
0x8: {  	_ =	strace $0x80000047;
	[dreg:$0x6] =	wrdreg s9;
	s9 =	sadd.s32 s8, s3  }
0x9: {  	s6 =	sand.u32 $0x1, s6;
	s0 =	sadd.s32 $0x41600, s0;
	s8 =	sadd.s32 $0x1400, s9  }
0xa: {  	s11 =	sshll.u32 s12, $0x1;
	s16 =	sadd.s32 $0x2800, s9;
	[dreg:$0x7] =	wrdreg s8  }
0xb: {  	s19 =	smul.u32 $0x13800, s12;
	s17 =	sadd.s32 $0x3C00, s9;
	[dreg:$0x8] =	wrdreg s16  }
0xc: {  	p0 =	sne.s32 s12, $0x0;
	s18 =	sadd.s32 $0x5000, s9;
	[dreg:$0x9] =	wrdreg s17  }
0xd: {  	s12 =	simm.s32 $0x7600;
	s13 =	sadd.s32 $0x6400, s9;
	[dreg:$0xa] =	wrdreg s18  }
0xe: {  	s15 =	ssub.s32 $0x2, s6;
	s20 =	sadd.s32 $0x7800, s9;
	[dreg:$0xb] =	wrdreg s13  }
0xf: {  	s11 =	sor.u32 s6, s11;
	s21 =	sadd.s32 $0x8C00, s9;
	[dreg:$0xc] =	wrdreg s20  }
0x10: {  	s6 =	smul.u32 $0x138800, s6;
	s22 =	sadd.s32 $0xA000, s9;
	[dreg:$0xd] =	wrdreg s21  }
0x11: {  	s10 =	sshrl.u32 s15, $0x1;
	s23 =	sadd.s32 $0xB400, s9;
	[dreg:$0xe] =	wrdreg s22  }
0x12: {  	s10 =	ssub.s32 s15, s10;
	s24 =	sadd.s32 $0xC800, s9;
	[dreg:$0xf] =	wrdreg s23  }
0x13: {  	s15 =	simm.s32 $0x1;
	s25 =	sadd.s32 $0xDC00, s9;
	[dreg:$0x10] =	wrdreg s24  }
0x14: {  	s26 =	smax.u32 s10, $0x1;
	s28 =	sadd.s32 $0xF000, s9;
	[dreg:$0x12] =	wrdreg s25  }
0x15: {  	s29 =	sadd.s32 $0x10400, s9;
	s30 =	sadd.s32 $0x11800, s9;
	[dreg:$0x14] =	wrdreg s26  }
0x16: {  	s31 =	sadd.s32 $0x12C00, s9;
	s10 =	simm.s32 $0x28;
	[dreg:$0x15] =	wrdreg s28  }
0x17: {  	s8 =	sadd.s32 s19, s6;
	s20 =	smul.u32 $0xFA00, s11;
	[dreg:$0x16] =	wrdreg s29  }
0x18: {  	s6 =	sshrl.u32 s6, $0x3;
	s23 =	smul.u32 $0x8C00, s11;
	[dreg:$0x17] =	wrdreg s30  }
0x19: {  	[dreg:$0x18] =	wrdreg s31;
	s25 =	sadd.s32 $0x138000, s3;
	s11 =	simm.s32 $0x80  }
0x1a: {  	s13 =	simm.s32 $0x6200;
	s16 =	simm.s32 $0x3;
	s17 =	simm.s32 $0x5  }
0x1b: {  	s18 =	simm.s32 $0x2;
	s19 =	simm.s32 $0x4;
	s8 =	sshrl.u32 s8, $0x3  }
0x1c: {  	[dreg:$0x19] =	wrdreg s25;
	s8 =	sadd.s32 s0, s8;
	s0 =	sadd.s32 s0, s6  }
0x1d: {  	s6 =	simm.s32 $0x7;
	[dreg:$0x11] =	wrdreg s8;
	s0 =	sadd.s32 $0x27000, s0  }
0x1e: {  	v0 =	vimm.f32 $0.0e+00;
	s8 =	simm.s32 $0x3200;
	[dreg:$0x13] =	wrdreg s0;
	s0 =	simm.s32 $0x4E00  }
.LBB2_1:
0x1f: {  	s21 =	sshrl.u32 @!p0 s4, $0x3;
	s22 =	simm.s32 @!p0 $0x1C07;
	s24 =	rddreg [dreg:$0x6]  }
0x20: {  	[spmem:s21], [sflag:s22] =	dma.local @!p0 [hbm:s24], $0x2000  }
0x21: {  	s21 =	simm.s32 @!p0 $0x7  }
0x22: {  	_ =	swait.ge @!p0 [sflag:s21], $0x2000  }
0x23: {  	[sflag:s21] =	ssyncset.done @!p0 $0x0  }
0x24: {  	s22 =	simm.s32 $0x200;
	[sflag:s21] =	ssyncadd.s32 @!p0 $0xFFFFE000;
	s21 =	simm.s32 $0x0  }
.LBB2_2:
0x25: {  	p1 =	sne.s32 s22, $0x4E00;
	[tilespmem:s21+$0x4E70] =	vst v0  }
0x26: {  	[tilespmem:s21+$0x4E00] =	vst v0  }
0x27: {  	[tilespmem:s21+$0x4E10] =	vst v0  }
.Ltmp0:
0x28: {  	[tilespmem:s21+$0x4E20] =	vst v0;
	(pc) =	sbr.rel @p1 .LBB2_2-.Ltmp0, $4  }
0x29: {  	[tilespmem:s21+$0x4E30] =	vst v0  }
0x2a: {  	[tilespmem:s21+$0x4E40] =	vst v0  }
0x2b: {  	[tilespmem:s21+$0x4E50] =	vst v0  }
0x2c: {  	[tilespmem:s21+$0x4E60] =	vst v0;
	s21 =	sshra.s32 s22, $0x2;
	s22 =	sadd.s32 $0x200, s22  }
0x2d: {  	[tilespmem:s21+$0x4E70] =	vst v0  }
0x2e: {  	[tilespmem:s21+$0x4E00] =	vst v0  }
0x2f: {  	[tilespmem:s21+$0x4E10] =	vst v0  }
0x30: {  	[tilespmem:s21+$0x4E20] =	vst v0  }
0x31: {  	[tilespmem:s21+$0x4E30] =	vst v0  }
0x32: {  	[tilespmem:s21+$0x4E40] =	vst v0  }
0x33: {  	[tilespmem:s21+$0x4E50] =	vst v0  }
0x34: {  	[tilespmem:s21+$0x4E60] =	vst v0  }
0x35: {  	[spmem:s9] =	stream.linear.scatter [tilespmem:s0], [sflag:$0x7], $0x1400, $0x38;
	[tilespmem:$0x1E680] =	vst v63  }
0x36: {  	_ =	swait.ge [sflag:s6], $0x1400  }
0x37: {  	[sflag:s6] =	ssyncset.done $0x0  }
0x38: {  	s31 =	rddreg [dreg:$0x7];
	[sflag:s6] =	ssyncadd.s32 $0xFFFFEC00  }
0x39: {  	[spmem:s31] =	stream.linear.scatter [tilespmem:s0], [sflag:$0x7], $0x1400, $0x38;
	[tilespmem:$0x1E680] =	vst v63  }
0x3a: {  	_ =	swait.ge [sflag:s6], $0x1400  }
0x3b: {  	[sflag:s6] =	ssyncset.done $0x0  }
0x3c: {  	s22 =	rddreg [dreg:$0x8];
	[sflag:s6] =	ssyncadd.s32 $0xFFFFEC00  }
0x3d: {  	[spmem:s22] =	stream.linear.scatter [tilespmem:s0], [sflag:$0x7], $0x1400, $0x38;
	[tilespmem:$0x1E680] =	vst v63  }
0x3e: {  	_ =	swait.ge [sflag:s6], $0x1400  }
0x3f: {  	[sflag:s6] =	ssyncset.done $0x0  }
0x40: {  	s24 =	rddreg [dreg:$0x9];
	[sflag:s6] =	ssyncadd.s32 $0xFFFFEC00  }
0x41: {  	[spmem:s24] =	stream.linear.scatter [tilespmem:s0], [sflag:$0x7], $0x1400, $0x38;
	[tilespmem:$0x1E680] =	vst v63  }
0x42: {  	_ =	swait.ge [sflag:s6], $0x1400  }
0x43: {  	[sflag:s6] =	ssyncset.done $0x0  }
0x44: {  	s26 =	rddreg [dreg:$0xa];
	[sflag:s6] =	ssyncadd.s32 $0xFFFFEC00  }
0x45: {  	[spmem:s26] =	stream.linear.scatter [tilespmem:s0], [sflag:$0x7], $0x1400, $0x38;
	[tilespmem:$0x1E680] =	vst v63  }
0x46: {  	_ =	swait.ge [sflag:s6], $0x1400  }
0x47: {  	[sflag:s6] =	ssyncset.done $0x0  }
0x48: {  	s28 =	rddreg [dreg:$0xb];
	[sflag:s6] =	ssyncadd.s32 $0xFFFFEC00  }
0x49: {  	[spmem:s28] =	stream.linear.scatter [tilespmem:s0], [sflag:$0x7], $0x1400, $0x38;
	[tilespmem:$0x1E680] =	vst v63  }
0x4a: {  	_ =	swait.ge [sflag:s6], $0x1400  }
0x4b: {  	[sflag:s6] =	ssyncset.done $0x0  }
0x4c: {  	s29 =	rddreg [dreg:$0xc];
	[sflag:s6] =	ssyncadd.s32 $0xFFFFEC00  }
0x4d: {  	[spmem:s29] =	stream.linear.scatter [tilespmem:s0], [sflag:$0x7], $0x1400, $0x38;
	[tilespmem:$0x1E680] =	vst v63  }
0x4e: {  	_ =	swait.ge [sflag:s6], $0x1400  }
0x4f: {  	[sflag:s6] =	ssyncset.done $0x0  }
0x50: {  	s30 =	rddreg [dreg:$0xd];
	[sflag:s6] =	ssyncadd.s32 $0xFFFFEC00  }
0x51: {  	[spmem:s30] =	stream.linear.scatter [tilespmem:s0], [sflag:$0x7], $0x1400, $0x38;
	[tilespmem:$0x1E680] =	vst v63  }
0x52: {  	_ =	swait.ge [sflag:s6], $0x1400  }
0x53: {  	[sflag:s6] =	ssyncset.done $0x0  }
0x54: {  	s31 =	rddreg [dreg:$0xe];
	[sflag:s6] =	ssyncadd.s32 $0xFFFFEC00  }
0x55: {  	[spmem:s31] =	stream.linear.scatter [tilespmem:s0], [sflag:$0x7], $0x1400, $0x38;
	[tilespmem:$0x1E680] =	vst v63  }
0x56: {  	_ =	swait.ge [sflag:s6], $0x1400  }
0x57: {  	[sflag:s6] =	ssyncset.done $0x0  }
0x58: {  	s22 =	rddreg [dreg:$0xf];
	[sflag:s6] =	ssyncadd.s32 $0xFFFFEC00  }
0x59: {  	[spmem:s22] =	stream.linear.scatter [tilespmem:s0], [sflag:$0x7], $0x1400, $0x38;
	[tilespmem:$0x1E680] =	vst v63  }
0x5a: {  	_ =	swait.ge [sflag:s6], $0x1400  }
0x5b: {  	[sflag:s6] =	ssyncset.done $0x0  }
0x5c: {  	s24 =	rddreg [dreg:$0x10];
	[sflag:s6] =	ssyncadd.s32 $0xFFFFEC00  }
0x5d: {  	[spmem:s24] =	stream.linear.scatter [tilespmem:s0], [sflag:$0x7], $0x1400, $0x38;
	[tilespmem:$0x1E680] =	vst v63  }
0x5e: {  	_ =	swait.ge [sflag:s6], $0x1400  }
0x5f: {  	[sflag:s6] =	ssyncset.done $0x0  }
0x60: {  	s26 =	rddreg [dreg:$0x12];
	[sflag:s6] =	ssyncadd.s32 $0xFFFFEC00  }
0x61: {  	[spmem:s26] =	stream.linear.scatter [tilespmem:s0], [sflag:$0x7], $0x1400, $0x38;
	[tilespmem:$0x1E680] =	vst v63  }
0x62: {  	_ =	swait.ge [sflag:s6], $0x1400  }
0x63: {  	[sflag:s6] =	ssyncset.done $0x0  }
0x64: {  	s28 =	rddreg [dreg:$0x15];
	[sflag:s6] =	ssyncadd.s32 $0xFFFFEC00  }
0x65: {  	[spmem:s28] =	stream.linear.scatter [tilespmem:s0], [sflag:$0x7], $0x1400, $0x38;
	[tilespmem:$0x1E680] =	vst v63  }
0x66: {  	_ =	swait.ge [sflag:s6], $0x1400  }
0x67: {  	[sflag:s6] =	ssyncset.done $0x0  }
0x68: {  	s29 =	rddreg [dreg:$0x16];
	[sflag:s6] =	ssyncadd.s32 $0xFFFFEC00  }
0x69: {  	[spmem:s29] =	stream.linear.scatter [tilespmem:s0], [sflag:$0x7], $0x1400, $0x38;
	[tilespmem:$0x1E680] =	vst v63  }
0x6a: {  	_ =	swait.ge [sflag:s6], $0x1400  }
0x6b: {  	[sflag:s6] =	ssyncset.done $0x0  }
0x6c: {  	s30 =	rddreg [dreg:$0x17];
	[sflag:s6] =	ssyncadd.s32 $0xFFFFEC00  }
0x6d: {  	[spmem:s30] =	stream.linear.scatter [tilespmem:s0], [sflag:$0x7], $0x1400, $0x38;
	[tilespmem:$0x1E680] =	vst v63  }
0x6e: {  	_ =	swait.ge [sflag:s6], $0x1400  }
0x6f: {  	[sflag:s6] =	ssyncset.done $0x0  }
0x70: {  	s31 =	rddreg [dreg:$0x18];
	[sflag:s6] =	ssyncadd.s32 $0xFFFFEC00  }
0x71: {  	[spmem:s31] =	stream.linear.scatter [tilespmem:s0], [sflag:$0x7], $0xC00, $0x38;
	[tilespmem:$0x1E680] =	vst v63  }
0x72: {  	_ =	swait.ge [sflag:s6], $0xC00  }
0x73: {  	[sflag:s6] =	ssyncset.done $0x0  }
0x74: {  	s21 =	simm.s32 @!p0 $0x4E00;
	[sflag:s6] =	ssyncadd.s32 $0xFFFFF400  }
0x75: {  	[spmem:s25] =	stream.linear.scatter @!p0 [tilespmem:s21], [sflag:$0x7], $0x800, $0x38;
	[tilespmem:$0x1E680] =	vst v63  }
0x76: {  	s21 =	simm.s32 @!p0 $0x7  }
0x77: {  	_ =	swait.ge @!p0 [sflag:s21], $0x800  }
0x78: {  	[sflag:s21] =	ssyncset.done @!p0 $0x0  }
0x79: {  	[sflag:s21] =	ssyncadd.s32 @!p0 $0xFFFFF800  }
0x7a: {  	s22 =	simm.s32 $0x0;
	s24 =	simm.s32 $0x0;
	[bflag:$0x0] =	sbarrier.arrive $0xFFFF  }
.LBB2_4:
0x7b: {  	p1 =	seq.s32 s24, $0x0;
	s21 =	smul.u32 $0x3200, s24  }
0x7c: {  	s25 =	simm.s32 @!p1 $0x6  }
0x7d: {  	_ =	swait.ge @!p1 [sflag:s25], $0x1400;
	s21 =	sadd.s32 s20, s21  }
0x7e: {  	[sflag:s25] =	ssyncset.done @!p1 $0x0;
	s21 =	sshrl.u32 s21, $0x3  }
0x7f: {  	s30 =	smul.u32 $0x1C00, s24;
	[sflag:s25] =	ssyncadd.s32 @!p1 $0xFFFFEC00;
	s21 =	sadd.s32 s7, s21  }
0x80: {  	[tilespmem:s22], [sflag:$0x7] =	stream.linear.gather [hbm4b:s21+s22], $0x3200, $0x38;
	[tilespmem:$0x1E680] =	vst v63  }
0x81: {  	s31 =	sadd.s32 s23, s30;
	_ =	swait.ge [sflag:s6], $0x3200  }
0x82: {  	s21 =	sshrl.u32 s31, $0x3;
	[sflag:s6] =	ssyncset.done $0x0  }
0x83: {  	s21 =	sadd.s32 s2, s21;
	[sflag:s6] =	ssyncadd.s32 $0xFFFFCE00  }
0x84: {  	[tilespmem:s8], [sflag:$0x7] =	stream.linear.gather [hbm4b:s21+s22], $0x1900, $0x38;
	[tilespmem:$0x1E680] =	vst v63  }
0x85: {  	_ =	swait.ge [sflag:s6], $0x1900  }
0x86: {  	[sflag:s6] =	ssyncset.done $0x0  }
0x87: {  	[sflag:s6] =	ssyncadd.s32 $0xFFFFE700  }
0x88: {  	[tilespmem:s0], [sflag:$0x1] =	stream.indirect.gather [hbm4b:s1+s10], $0x80, s22, s10, $0xb8;
	[tilespmem:$0x1E680] =	vst v63  }
0x89: {  	s25 =	simm.s32 $0x0  }
0x8a: {  	[tilespmem:s12], [sflag:$0x3] =	stream.indirect.gather [spmem:s4], $0x80, s11, s10, $0xb8;
	[tilespmem:$0x1E680] =	vst v63  }
.LBB2_5:
0x8b: {  	p1 =	seq.s32 s25, $0x0  }
0x8c: {  	s21 =	sshll.u32 s25, $0x1;
	s28 =	simm.s32 @!p1 $0x6  }
0x8d: {  	s26 =	sor.u32 $0x1, s21;
	_ =	swait.ge @!p1 [sflag:s28], $0x1400  }
0x8e: {  	s21 =	sshll.u32 s26, $0x8;
	[sflag:s28] =	ssyncset.done @!p1 $0x0  }
0x8f: {  	s21 =	sand.u32 $0x3FFFFF00, s21;
	[sflag:s28] =	ssyncadd.s32 @!p1 $0xFFFFEC00  }
0x90: {  	[tilespmem:s13], [sflag:$0x2] =	stream.indirect.gather [hbm4b:s1+s10], $0x80, s21, s10, $0xb8;
	[tilespmem:$0x1E680] =	vst v63  }
0x91: {  	s21 =	sor.u32 $0x80, s21  }
0x92: {  	[tilespmem:s14], [sflag:$0x4] =	stream.indirect.gather [spmem:s4], $0x80, s21, s10, $0xb8;
	[tilespmem:$0x1E680] =	vst v63  }
0x93: {  	_ =	swait.ge [sflag:s15], $0x1400  }
0x94: {  	[sflag:s15] =	ssyncset.done $0x0  }
0x95: {  	[sflag:s15] =	ssyncadd.s32 $0xFFFFEC00  }
0x96: {  	_ =	swait.ge [sflag:s16], $0x1400  }
0x97: {  	[sflag:s16] =	ssyncset.done $0x0  }
0x98: {  	s28 =	simm.s32 $0x4F00;
	[sflag:s16] =	ssyncadd.s32 $0xFFFFEC00  }
0x99: {  	s29 =	simm.s32 $0x7700;
	v1 =	vld [tilespmem:s28+$0x80]  }
0x9a: {  	v2 =	vld [tilespmem:s29+$0x80]  }
0x9b: {  	v3 =	vld [tilespmem:s29+$0xFFFFFF00]  }
0x9c: {  	v4 =	vld [tilespmem:s28+$0xFFFFFF80]  }
0x9d: {  	v5 =	vld [tilespmem:s29+$0xFFFFFF80]  }
0x9e: {  	v6 =	vld [tilespmem:s29+$0x0]  }
0x9f: {  	v1 =	vadd.f32 v2, v1;
	v2 =	vld [tilespmem:s28+$0x0]  }
0xa0: {  	v7 =	vld [tilespmem:s28+$0xFFFFFF00]  }
0xa1: {  	v1 =	vmax.f32 v1, $0.0e+00  }
0xa2: {  	v4 =	vadd.f32 v5, v4;
	[tilespmem:s28+$0x80] =	vst v1;
	v1 =	vld [tilespmem:s28+$0x90]  }
0xa3: {  	v8 =	vld [tilespmem:s29+$0x90]  }
0xa4: {  	v9 =	vld [tilespmem:s28+$0xFFFFFF90];
	v4 =	vmax.f32 v4, $0.0e+00;
	v2 =	vadd.f32 v6, v2  }
0xa5: {  	v5 =	vld [tilespmem:s28+$0xFFFFFF10];
	v3 =	vadd.f32 v3, v7;
	[tilespmem:s28+$0xFFFFFF80] =	vst v4  }
0xa6: {  	v6 =	vld [tilespmem:s29+$0xFFFFFF90];
	v2 =	vmax.f32 v2, $0.0e+00  }
0xa7: {  	v3 =	vmax.f32 v3, $0.0e+00;
	v4 =	vld [tilespmem:s28+$0x10];
	[tilespmem:s28+$0x0] =	vst v2  }
0xa8: {  	[tilespmem:s28+$0xFFFFFF00] =	vst v3;
	v1 =	vadd.f32 v8, v1;
	v2 =	vld [tilespmem:s29+$0x10]  }
0xa9: {  	v3 =	vld [tilespmem:s29+$0xFFFFFF10]  }
0xaa: {  	v1 =	vmax.f32 v1, $0.0e+00  }
0xab: {  	v6 =	vadd.f32 v6, v9;
	[tilespmem:s28+$0x90] =	vst v1;
	v1 =	vld [tilespmem:s28+$0xA0]  }
0xac: {  	v8 =	vld [tilespmem:s29+$0xA0]  }
0xad: {  	v7 =	vld [tilespmem:s28+$0xFFFFFF20];
	v6 =	vmax.f32 v6, $0.0e+00;
	v2 =	vadd.f32 v2, v4  }
0xae: {  	v3 =	vadd.f32 v3, v5;
	v9 =	vld [tilespmem:s28+$0xFFFFFFA0];
	[tilespmem:s28+$0xFFFFFF90] =	vst v6  }
0xaf: {  	v5 =	vld [tilespmem:s29+$0xFFFFFFA0];
	v2 =	vmax.f32 v2, $0.0e+00  }
0xb0: {  	v3 =	vmax.f32 v3, $0.0e+00;
	v4 =	vld [tilespmem:s28+$0x20];
	[tilespmem:s28+$0x10] =	vst v2  }
0xb1: {  	[tilespmem:s28+$0xFFFFFF10] =	vst v3;
	v1 =	vadd.f32 v8, v1;
	v2 =	vld [tilespmem:s29+$0x20]  }
0xb2: {  	v3 =	vld [tilespmem:s29+$0xFFFFFF20]  }
0xb3: {  	v1 =	vmax.f32 v1, $0.0e+00  }
0xb4: {  	v5 =	vadd.f32 v5, v9;
	[tilespmem:s28+$0xA0] =	vst v1;
	v1 =	vld [tilespmem:s28+$0xB0]  }
0xb5: {  	v8 =	vld [tilespmem:s29+$0xB0]  }
0xb6: {  	v10 =	vld [tilespmem:s28+$0x30];
	v5 =	vmax.f32 v5, $0.0e+00;
	v2 =	vadd.f32 v2, v4  }
0xb7: {  	v3 =	vadd.f32 v3, v7;
	v9 =	vld [tilespmem:s28+$0xFFFFFFB0];
	[tilespmem:s28+$0xFFFFFFA0] =	vst v5  }
0xb8: {  	v4 =	vld [tilespmem:s29+$0xFFFFFFB0];
	v2 =	vmax.f32 v2, $0.0e+00  }
0xb9: {  	v6 =	vld [tilespmem:s28+$0xFFFFFF30];
	[tilespmem:s28+$0x20] =	vst v2;
	v2 =	vmax.f32 v3, $0.0e+00  }
0xba: {  	v1 =	vadd.f32 v8, v1;
	[tilespmem:s28+$0xFFFFFF20] =	vst v2;
	v2 =	vld [tilespmem:s29+$0x30]  }
0xbb: {  	v7 =	vld [tilespmem:s29+$0xFFFFFF30]  }
0xbc: {  	v11 =	vld [tilespmem:s28+$0xFFFFFF40];
	v1 =	vmax.f32 v1, $0.0e+00  }
0xbd: {  	v4 =	vadd.f32 v4, v9;
	[tilespmem:s28+$0xB0] =	vst v1;
	v1 =	vld [tilespmem:s28+$0xC0]  }
0xbe: {  	v8 =	vld [tilespmem:s29+$0xC0]  }
0xbf: {  	v12 =	vld [tilespmem:s28+$0xFFFFFFD0];
	v4 =	vmax.f32 v4, $0.0e+00;
	v2 =	vadd.f32 v2, v10  }
0xc0: {  	v5 =	vld [tilespmem:s28+$0xFFFFFFC0];
	[tilespmem:s28+$0xFFFFFFB0] =	vst v4;
	v6 =	vadd.f32 v7, v6  }
0xc1: {  	v7 =	vld [tilespmem:s29+$0xFFFFFFC0];
	v2 =	vmax.f32 v2, $0.0e+00  }
0xc2: {  	v3 =	vld [tilespmem:s28+$0x40];
	[tilespmem:s28+$0x30] =	vst v2;
	v2 =	vmax.f32 v6, $0.0e+00  }
0xc3: {  	v1 =	vadd.f32 v8, v1;
	v6 =	vld [tilespmem:s29+$0x40];
	[tilespmem:s28+$0xFFFFFF30] =	vst v2  }
0xc4: {  	v2 =	vld [tilespmem:s29+$0xFFFFFF40]  }
0xc5: {  	v9 =	vld [tilespmem:s28+$0xFFFFFF50];
	v1 =	vmax.f32 v1, $0.0e+00  }
0xc6: {  	[tilespmem:s28+$0xC0] =	vst v1;
	v1 =	vadd.f32 v7, v5;
	v7 =	vld [tilespmem:s28+$0xD0]  }
0xc7: {  	v8 =	vld [tilespmem:s29+$0xD0]  }
0xc8: {  	v4 =	vld [tilespmem:s28+$0xFFFFFF60];
	v1 =	vmax.f32 v1, $0.0e+00;
	v3 =	vadd.f32 v6, v3  }
0xc9: {  	v10 =	vld [tilespmem:s28+$0x50];
	[tilespmem:s28+$0xFFFFFFC0] =	vst v1;
	v1 =	vadd.f32 v2, v11  }
0xca: {  	v2 =	vld [tilespmem:s29+$0xFFFFFFD0];
	v3 =	vmax.f32 v3, $0.0e+00  }
0xcb: {  	v5 =	vld [tilespmem:s28+$0xFFFFFFE0];
	[tilespmem:s28+$0x40] =	vst v3;
	v1 =	vmax.f32 v1, $0.0e+00  }
0xcc: {  	v3 =	vld [tilespmem:s29+$0x50];
	v7 =	vadd.f32 v8, v7;
	[tilespmem:s28+$0xFFFFFF40] =	vst v1  }
0xcd: {  	v1 =	vld [tilespmem:s29+$0xFFFFFF50]  }
0xce: {  	v6 =	vld [tilespmem:s28+$0x60];
	v7 =	vmax.f32 v7, $0.0e+00  }
0xcf: {  	v2 =	vadd.f32 v2, v12;
	[tilespmem:s28+$0xD0] =	vst v7;
	v7 =	vld [tilespmem:s28+$0xE0]  }
0xd0: {  	v11 =	vld [tilespmem:s29+$0xE0]  }
0xd1: {  	v2 =	vmax.f32 v2, $0.0e+00;
	v8 =	vadd.f32 v3, v10;
	v3 =	vld [tilespmem:s28+$0xFFFFFF70]  }
0xd2: {  	[tilespmem:s28+$0xFFFFFFD0] =	vst v2;
	v1 =	vadd.f32 v1, v9;
	v2 =	vld [tilespmem:s28+$0xFFFFFFF0]  }
0xd3: {  	v9 =	vmax.f32 v8, $0.0e+00;
	v8 =	vld [tilespmem:s29+$0xFFFFFFE0]  }
0xd4: {  	[tilespmem:s28+$0x50] =	vst v9;
	v9 =	vmax.f32 v1, $0.0e+00;
	v1 =	vld [tilespmem:s28+$0x70]  }
0xd5: {  	[tilespmem:s28+$0xFFFFFF50] =	vst v9;
	v9 =	vld [tilespmem:s29+$0x60];
	v7 =	vadd.f32 v11, v7  }
0xd6: {  	v10 =	vld [tilespmem:s29+$0xFFFFFF60]  }
0xd7: {  	s30 =	simm.s32 $0x0;
	s31 =	simm.s32 $0x7700;
	s21 =	simm.s32 $0x5100;
	v11 =	vmax.f32 v7, $0.0e+00;
	v7 =	vld [tilespmem:s28+$0xF0]  }
.LBB2_6:
0xd8: {  	v12 =	vld [tilespmem:s21+$0x80];
	v5 =	vadd.f32 v8, v5;
	[tilespmem:s28+$0xE0] =	vst v11  }
0xd9: {  	s31 =	sadd.s32 $0x200, s31;
	v8 =	vld [tilespmem:s29+$0xF0]  }
0xda: {  	s30 =	sadd.s32 $0x4, s30;
	v11 =	vld [tilespmem:s31+$0x80];
	v5 =	vmax.f32 v5, $0.0e+00;
	v6 =	vadd.f32 v9, v6  }
0xdb: {  	p1 =	slt.u32 s30, $0x24;
	v9 =	vld [tilespmem:s31+$0xFFFFFF00];
	v4 =	vadd.f32 v10, v4;
	[tilespmem:s28+$0xFFFFFFE0] =	vst v5  }
0xdc: {  	v5 =	vld [tilespmem:s21+$0xFFFFFF80];
	v6 =	vmax.f32 v6, $0.0e+00  }
0xdd: {  	v10 =	vld [tilespmem:s31+$0xFFFFFF80];
	v4 =	vmax.f32 v4, $0.0e+00;
	[tilespmem:s28+$0x60] =	vst v6  }
0xde: {  	v6 =	vld [tilespmem:s21+$0x0];
	[tilespmem:s28+$0xFFFFFF60] =	vst v4;
	v4 =	vadd.f32 v8, v7  }
0xdf: {  	v7 =	vld [tilespmem:s31+$0x0];
	v8 =	vadd.f32 v11, v12  }
0xe0: {  	v11 =	vld [tilespmem:s21+$0xFFFFFF00];
	v4 =	vmax.f32 v4, $0.0e+00  }
0xe1: {  	v12 =	vld [tilespmem:s21+$0xFFFFFF10];
	v8 =	vmax.f32 v8, $0.0e+00;
	[tilespmem:s28+$0xF0] =	vst v4  }
0xe2: {  	v4 =	vadd.f32 v10, v5;
	[tilespmem:s21+$0x80] =	vst v8;
	v5 =	vld [tilespmem:s21+$0x90]  }
0xe3: {  	v8 =	vld [tilespmem:s31+$0x90]  }
0xe4: {  	v4 =	vmax.f32 v4, $0.0e+00;
	v10 =	vld [tilespmem:s21+$0xFFFFFF90];
	v6 =	vadd.f32 v7, v6  }
0xe5: {  	v7 =	vadd.f32 v9, v11;
	[tilespmem:s21+$0xFFFFFF80] =	vst v4;
	v4 =	vld [tilespmem:s21+$0x10]  }
0xe6: {  	v9 =	vld [tilespmem:s31+$0xFFFFFF90];
	v6 =	vmax.f32 v6, $0.0e+00  }
0xe7: {  	v7 =	vmax.f32 v7, $0.0e+00;
	v11 =	vld [tilespmem:s21+$0xFFFFFF20];
	[tilespmem:s21+$0x0] =	vst v6  }
0xe8: {  	[tilespmem:s21+$0xFFFFFF00] =	vst v7;
	v6 =	vld [tilespmem:s31+$0x10];
	v5 =	vadd.f32 v8, v5  }
0xe9: {  	v7 =	vld [tilespmem:s31+$0xFFFFFF10]  }
0xea: {  	v8 =	vld [tilespmem:s21+$0xFFFFFFA0];
	v5 =	vmax.f32 v5, $0.0e+00  }
0xeb: {  	v9 =	vadd.f32 v9, v10;
	[tilespmem:s21+$0x90] =	vst v5;
	v5 =	vld [tilespmem:s21+$0xA0]  }
0xec: {  	v10 =	vld [tilespmem:s31+$0xA0]  }
0xed: {  	v9 =	vmax.f32 v9, $0.0e+00;
	v4 =	vadd.f32 v6, v4;
	v6 =	vld [tilespmem:s21+$0x20]  }
0xee: {  	v7 =	vadd.f32 v7, v12;
	v12 =	vld [tilespmem:s21+$0xFFFFFF30];
	[tilespmem:s21+$0xFFFFFF90] =	vst v9  }
0xef: {  	v9 =	vld [tilespmem:s31+$0xFFFFFFA0];
	v4 =	vmax.f32 v4, $0.0e+00  }
0xf0: {  	v7 =	vmax.f32 v7, $0.0e+00;
	v13 =	vld [tilespmem:s21+$0xFFFFFFB0];
	[tilespmem:s21+$0x10] =	vst v4  }
0xf1: {  	[tilespmem:s21+$0xFFFFFF10] =	vst v7;
	v4 =	vld [tilespmem:s31+$0x20];
	v5 =	vadd.f32 v10, v5  }
0xf2: {  	v7 =	vld [tilespmem:s31+$0xFFFFFF20]  }
0xf3: {  	v10 =	vld [tilespmem:s21+$0x30];
	v5 =	vmax.f32 v5, $0.0e+00  }
0xf4: {  	v8 =	vadd.f32 v9, v8;
	[tilespmem:s21+$0xA0] =	vst v5;
	v5 =	vld [tilespmem:s21+$0xB0]  }
0xf5: {  	v9 =	vld [tilespmem:s31+$0xB0]  }
0xf6: {  	v14 =	vld [tilespmem:s21+$0xFFFFFF40];
	v8 =	vmax.f32 v8, $0.0e+00;
	v4 =	vadd.f32 v4, v6  }
0xf7: {  	v6 =	vadd.f32 v7, v11;
	[tilespmem:s21+$0xFFFFFFA0] =	vst v8;
	v7 =	vld [tilespmem:s21+$0xFFFFFFC0]  }
0xf8: {  	v8 =	vld [tilespmem:s31+$0xFFFFFFB0];
	v4 =	vmax.f32 v4, $0.0e+00  }
0xf9: {  	v6 =	vmax.f32 v6, $0.0e+00;
	[tilespmem:s21+$0x20] =	vst v4;
	v11 =	vld [tilespmem:s21+$0x40]  }
0xfa: {  	[tilespmem:s21+$0xFFFFFF20] =	vst v6;
	v4 =	vld [tilespmem:s31+$0x30];
	v5 =	vadd.f32 v9, v5  }
0xfb: {  	v6 =	vld [tilespmem:s31+$0xFFFFFF30]  }
0xfc: {  	v9 =	vld [tilespmem:s21+$0xFFFFFF50];
	v5 =	vmax.f32 v5, $0.0e+00  }
0xfd: {  	v8 =	vadd.f32 v8, v13;
	[tilespmem:s21+$0xB0] =	vst v5;
	v5 =	vld [tilespmem:s21+$0xC0]  }
0xfe: {  	v13 =	vld [tilespmem:s31+$0xC0]  }
0xff: {  	v8 =	vmax.f32 v8, $0.0e+00;
	v15 =	vld [tilespmem:s21+$0xFFFFFFD0];
	v4 =	vadd.f32 v4, v10  }
0x100: {  	v6 =	vadd.f32 v6, v12;
	[tilespmem:s21+$0xFFFFFFB0] =	vst v8;
	v8 =	vld [tilespmem:s21+$0x50]  }
0x101: {  	v10 =	vld [tilespmem:s31+$0xFFFFFFC0];
	v12 =	vmax.f32 v4, $0.0e+00  }
0x102: {  	v6 =	vmax.f32 v6, $0.0e+00;
	v4 =	vld [tilespmem:s21+$0xFFFFFF60];
	[tilespmem:s21+$0x30] =	vst v12  }
0x103: {  	[tilespmem:s21+$0xFFFFFF30] =	vst v6;
	v6 =	vld [tilespmem:s31+$0x40];
	v12 =	vadd.f32 v13, v5  }
0x104: {  	v13 =	vld [tilespmem:s31+$0xFFFFFF40]  }
0x105: {  	v5 =	vld [tilespmem:s21+$0xFFFFFFE0];
	v12 =	vmax.f32 v12, $0.0e+00  }
0x106: {  	v7 =	vadd.f32 v10, v7;
	[tilespmem:s21+$0xC0] =	vst v12;
	v10 =	vld [tilespmem:s21+$0xD0]  }
0x107: {  	v12 =	vld [tilespmem:s31+$0xD0]  }
0x108: {  	v7 =	vmax.f32 v7, $0.0e+00;
	v11 =	vadd.f32 v6, v11;
	v6 =	vld [tilespmem:s21+$0x60]  }
0x109: {  	v13 =	vadd.f32 v13, v14;
	[tilespmem:s21+$0xFFFFFFC0] =	vst v7;
	v7 =	vld [tilespmem:s29+$0xFFFFFF70]  }
0x10a: {  	v14 =	vld [tilespmem:s31+$0xFFFFFFD0];
	v11 =	vmax.f32 v11, $0.0e+00  }
0x10b: {  	v13 =	vmax.f32 v13, $0.0e+00;
	[tilespmem:s21+$0x40] =	vst v11;
	v11 =	vld [tilespmem:s29+$0xFFFFFFF0]  }
0x10c: {  	[tilespmem:s21+$0xFFFFFF40] =	vst v13;
	v13 =	vld [tilespmem:s31+$0x50];
	v10 =	vadd.f32 v12, v10  }
0x10d: {  	v12 =	vld [tilespmem:s31+$0xFFFFFF50]  }
0x10e: {  	v10 =	vmax.f32 v10, $0.0e+00;
	v3 =	vadd.f32 v7, v3;
	v7 =	vld [tilespmem:s29+$0x70];
	s29 =	smov.u32 s31  }
0x10f: {  	v14 =	vadd.f32 v14, v15;
	[tilespmem:s21+$0xD0] =	vst v10;
	v10 =	vld [tilespmem:s21+$0xE0]  }
0x110: {  	v15 =	vld [tilespmem:s31+$0xE0];
	v16 =	vmax.f32 v3, $0.0e+00;
	v11 =	vadd.f32 v11, v2  }
0x111: {  	v3 =	vld [tilespmem:s21+$0xFFFFFF70];
	v2 =	vmax.f32 v14, $0.0e+00;
	v13 =	vadd.f32 v13, v8;
	[tilespmem:s28+$0xFFFFFF70] =	vst v16  }
0x112: {  	v9 =	vadd.f32 v12, v9;
	[tilespmem:s21+$0xFFFFFFD0] =	vst v2;
	v2 =	vld [tilespmem:s21+$0xFFFFFFF0];
	v11 =	vmax.f32 v11, $0.0e+00  }
.Ltmp1:
0x113: {  	v8 =	vld [tilespmem:s31+$0xFFFFFFE0];
	v12 =	vmax.f32 v13, $0.0e+00;
	[tilespmem:s28+$0xFFFFFFF0] =	vst v11;
	v7 =	vadd.f32 v7, v1;
	(pc) =	sbr.rel @p1 .LBB2_6-.Ltmp1, $4  }
0x114: {  	v9 =	vmax.f32 v9, $0.0e+00;
	[tilespmem:s21+$0x50] =	vst v12;
	v1 =	vld [tilespmem:s21+$0x70]  }
0x115: {  	[tilespmem:s21+$0xFFFFFF50] =	vst v9;
	v9 =	vld [tilespmem:s31+$0x60];
	v11 =	vadd.f32 v15, v10;
	v7 =	vmax.f32 v7, $0.0e+00  }
0x116: {  	v10 =	vld [tilespmem:s31+$0xFFFFFF60];
	[tilespmem:s28+$0x70] =	vst v7;
	s28 =	smov.u32 s21  }
0x117: {  	s21 =	sadd.s32 $0x200, s21;
	v11 =	vmax.f32 v11, $0.0e+00;
	v7 =	vld [tilespmem:s28+$0xF0]  }
0x118: {  	_ =	sdelay $0x2  }
0x119: {  	v4 =	vadd.f32 v10, v4  }
0x11a: {  	v5 =	vadd.f32 v8, v5  }
0x11b: {  	[tilespmem:s28+$0xE0] =	vst v11;
	v6 =	vadd.f32 v9, v6;
	v4 =	vmax.f32 v4, $0.0e+00  }
0x11c: {  	v8 =	vld [tilespmem:s29+$0xF0];
	v5 =	vmax.f32 v5, $0.0e+00;
	[tilespmem:s28+$0xFFFFFF60] =	vst v4  }
0x11d: {  	[tilespmem:s28+$0xFFFFFFE0] =	vst v5;
	v4 =	vmax.f32 v6, $0.0e+00;
	v5 =	vld [tilespmem:s29+$0xFFFFFF70]  }
0x11e: {  	[tilespmem:s28+$0x60] =	vst v4;
	v4 =	vld [tilespmem:s29+$0xFFFFFFF0]  }
0x11f: {  	v6 =	vld [tilespmem:s29+$0x70];
	_ =	sdelay $0x1  }
0x120: {  	v7 =	vadd.f32 v8, v7  }
0x121: {  	v3 =	vadd.f32 v5, v3  }
0x122: {  	v5 =	vmax.f32 v7, $0.0e+00;
	v2 =	vadd.f32 v4, v2  }
0x123: {  	[tilespmem:s28+$0xF0] =	vst v5;
	v1 =	vadd.f32 v6, v1;
	v3 =	vmax.f32 v3, $0.0e+00  }
0x124: {  	s21 =	sshll.u32 s25, $0x8;
	v2 =	vmax.f32 v2, $0.0e+00;
	[tilespmem:s28+$0xFFFFFF70] =	vst v3  }
0x125: {  	s21 =	sand.u32 $0x3FFFFF00, s21;
	[tilespmem:s28+$0xFFFFFFF0] =	vst v2;
	v1 =	vmax.f32 v1, $0.0e+00  }
0x126: {  	p1 =	seq.s32 s25, $0x18;
	s21 =	sadd.s32 $0x3200, s21;
	[tilespmem:s28+$0x70] =	vst v1  }
0x127: {  	[spmem:s3] =	stream.indirect.scatter.add.f32 [tilespmem:s0], [sflag:$0x5], $0x80, s21, s10, $0xb8;
	[tilespmem:$0x1E680] =	vst v63  }
0x128: {  	s21 =	sshll.u32 @!p1 s25, $0x9;
	_ =	swait.ge [sflag:s17], $0x1400  }
0x129: {  	s30 =	simm.s32 @!p1 $0x4E00;
	s21 =	sand.u32 @!p1 $0x3FFFFE00, s21;
	[sflag:s17] =	ssyncset.done $0x0  }
0x12a: {  	s29 =	simm.s32 @!p1 $0x28;
	s28 =	sadd.s32 @!p1 $0x200, s21;
	[sflag:s17] =	ssyncadd.s32 $0xFFFFEC00  }
0x12b: {  	[tilespmem:s30], [sflag:$0x1] =	stream.indirect.gather @!p1 [hbm4b:s1+s29], $0x80, s28, s29, $0xb8;
	[tilespmem:$0x1E680] =	vst v63  }
0x12c: {  	s21 =	sadd.s32 @!p1 $0x280, s21;
	s28 =	simm.s32 @!p1 $0x7600  }
0x12d: {  	[tilespmem:s28], [sflag:$0x3] =	stream.indirect.gather @!p1 [spmem:s4], $0x80, s21, s29, $0xb8;
	[tilespmem:$0x1E680] =	vst v63  }
0x12e: {  	_ =	swait.ge [sflag:s18], $0x1400  }
0x12f: {  	[sflag:s18] =	ssyncset.done $0x0  }
0x130: {  	[sflag:s18] =	ssyncadd.s32 $0xFFFFEC00  }
0x131: {  	_ =	swait.ge [sflag:s19], $0x1400  }
0x132: {  	[sflag:s19] =	ssyncset.done $0x0  }
0x133: {  	s28 =	simm.s32 $0x6300;
	[sflag:s19] =	ssyncadd.s32 $0xFFFFEC00  }
0x134: {  	s29 =	simm.s32 $0x8B00;
	v1 =	vld [tilespmem:s28+$0x80]  }
0x135: {  	v2 =	vld [tilespmem:s29+$0x80]  }
0x136: {  	v3 =	vld [tilespmem:s29+$0xFFFFFF00]  }
0x137: {  	v4 =	vld [tilespmem:s28+$0xFFFFFF80]  }
0x138: {  	v5 =	vld [tilespmem:s29+$0xFFFFFF80]  }
0x139: {  	v6 =	vld [tilespmem:s29+$0x0]  }
0x13a: {  	v1 =	vadd.f32 v2, v1;
	v2 =	vld [tilespmem:s28+$0x0]  }
0x13b: {  	v7 =	vld [tilespmem:s28+$0xFFFFFF00]  }
0x13c: {  	v1 =	vmax.f32 v1, $0.0e+00  }
0x13d: {  	v4 =	vadd.f32 v5, v4;
	[tilespmem:s28+$0x80] =	vst v1;
	v1 =	vld [tilespmem:s28+$0x90]  }
0x13e: {  	v8 =	vld [tilespmem:s29+$0x90]  }
0x13f: {  	v9 =	vld [tilespmem:s28+$0xFFFFFF90];
	v4 =	vmax.f32 v4, $0.0e+00;
	v2 =	vadd.f32 v6, v2  }
0x140: {  	v5 =	vld [tilespmem:s28+$0xFFFFFF10];
	v3 =	vadd.f32 v3, v7;
	[tilespmem:s28+$0xFFFFFF80] =	vst v4  }
0x141: {  	v6 =	vld [tilespmem:s29+$0xFFFFFF90];
	v2 =	vmax.f32 v2, $0.0e+00  }
0x142: {  	v3 =	vmax.f32 v3, $0.0e+00;
	v4 =	vld [tilespmem:s28+$0x10];
	[tilespmem:s28+$0x0] =	vst v2  }
0x143: {  	[tilespmem:s28+$0xFFFFFF00] =	vst v3;
	v1 =	vadd.f32 v8, v1;
	v2 =	vld [tilespmem:s29+$0x10]  }
0x144: {  	v3 =	vld [tilespmem:s29+$0xFFFFFF10]  }
0x145: {  	v1 =	vmax.f32 v1, $0.0e+00  }
0x146: {  	v6 =	vadd.f32 v6, v9;
	[tilespmem:s28+$0x90] =	vst v1;
	v1 =	vld [tilespmem:s28+$0xA0]  }
0x147: {  	v8 =	vld [tilespmem:s29+$0xA0]  }
0x148: {  	v7 =	vld [tilespmem:s28+$0xFFFFFF20];
	v6 =	vmax.f32 v6, $0.0e+00;
	v2 =	vadd.f32 v2, v4  }
0x149: {  	v3 =	vadd.f32 v3, v5;
	v9 =	vld [tilespmem:s28+$0xFFFFFFA0];
	[tilespmem:s28+$0xFFFFFF90] =	vst v6  }
0x14a: {  	v5 =	vld [tilespmem:s29+$0xFFFFFFA0];
	v2 =	vmax.f32 v2, $0.0e+00  }
0x14b: {  	v3 =	vmax.f32 v3, $0.0e+00;
	v4 =	vld [tilespmem:s28+$0x20];
	[tilespmem:s28+$0x10] =	vst v2  }
0x14c: {  	[tilespmem:s28+$0xFFFFFF10] =	vst v3;
	v1 =	vadd.f32 v8, v1;
	v2 =	vld [tilespmem:s29+$0x20]  }
0x14d: {  	v3 =	vld [tilespmem:s29+$0xFFFFFF20]  }
0x14e: {  	v1 =	vmax.f32 v1, $0.0e+00  }
0x14f: {  	v5 =	vadd.f32 v5, v9;
	[tilespmem:s28+$0xA0] =	vst v1;
	v1 =	vld [tilespmem:s28+$0xB0]  }
0x150: {  	v8 =	vld [tilespmem:s29+$0xB0]  }
0x151: {  	v10 =	vld [tilespmem:s28+$0x30];
	v5 =	vmax.f32 v5, $0.0e+00;
	v2 =	vadd.f32 v2, v4  }
0x152: {  	v3 =	vadd.f32 v3, v7;
	v9 =	vld [tilespmem:s28+$0xFFFFFFB0];
	[tilespmem:s28+$0xFFFFFFA0] =	vst v5  }
0x153: {  	v4 =	vld [tilespmem:s29+$0xFFFFFFB0];
	v2 =	vmax.f32 v2, $0.0e+00  }
0x154: {  	v6 =	vld [tilespmem:s28+$0xFFFFFF30];
	[tilespmem:s28+$0x20] =	vst v2;
	v2 =	vmax.f32 v3, $0.0e+00  }
0x155: {  	v1 =	vadd.f32 v8, v1;
	[tilespmem:s28+$0xFFFFFF20] =	vst v2;
	v2 =	vld [tilespmem:s29+$0x30]  }
0x156: {  	v7 =	vld [tilespmem:s29+$0xFFFFFF30]  }
0x157: {  	v11 =	vld [tilespmem:s28+$0xFFFFFF40];
	v1 =	vmax.f32 v1, $0.0e+00  }
0x158: {  	v4 =	vadd.f32 v4, v9;
	[tilespmem:s28+$0xB0] =	vst v1;
	v1 =	vld [tilespmem:s28+$0xC0]  }
0x159: {  	v8 =	vld [tilespmem:s29+$0xC0]  }
0x15a: {  	v12 =	vld [tilespmem:s28+$0xFFFFFFD0];
	v4 =	vmax.f32 v4, $0.0e+00;
	v2 =	vadd.f32 v2, v10  }
0x15b: {  	v5 =	vld [tilespmem:s28+$0xFFFFFFC0];
	[tilespmem:s28+$0xFFFFFFB0] =	vst v4;
	v6 =	vadd.f32 v7, v6  }
0x15c: {  	v7 =	vld [tilespmem:s29+$0xFFFFFFC0];
	v2 =	vmax.f32 v2, $0.0e+00  }
0x15d: {  	v3 =	vld [tilespmem:s28+$0x40];
	[tilespmem:s28+$0x30] =	vst v2;
	v2 =	vmax.f32 v6, $0.0e+00  }
0x15e: {  	v1 =	vadd.f32 v8, v1;
	v6 =	vld [tilespmem:s29+$0x40];
	[tilespmem:s28+$0xFFFFFF30] =	vst v2  }
0x15f: {  	v2 =	vld [tilespmem:s29+$0xFFFFFF40]  }
0x160: {  	v9 =	vld [tilespmem:s28+$0xFFFFFF50];
	v1 =	vmax.f32 v1, $0.0e+00  }
0x161: {  	[tilespmem:s28+$0xC0] =	vst v1;
	v1 =	vadd.f32 v7, v5;
	v7 =	vld [tilespmem:s28+$0xD0]  }
0x162: {  	v8 =	vld [tilespmem:s29+$0xD0]  }
0x163: {  	v4 =	vld [tilespmem:s28+$0xFFFFFF60];
	v1 =	vmax.f32 v1, $0.0e+00;
	v3 =	vadd.f32 v6, v3  }
0x164: {  	v10 =	vld [tilespmem:s28+$0x50];
	[tilespmem:s28+$0xFFFFFFC0] =	vst v1;
	v1 =	vadd.f32 v2, v11  }
0x165: {  	v2 =	vld [tilespmem:s29+$0xFFFFFFD0];
	v3 =	vmax.f32 v3, $0.0e+00  }
0x166: {  	v5 =	vld [tilespmem:s28+$0xFFFFFFE0];
	[tilespmem:s28+$0x40] =	vst v3;
	v1 =	vmax.f32 v1, $0.0e+00  }
0x167: {  	v3 =	vld [tilespmem:s29+$0x50];
	v7 =	vadd.f32 v8, v7;
	[tilespmem:s28+$0xFFFFFF40] =	vst v1  }
0x168: {  	v1 =	vld [tilespmem:s29+$0xFFFFFF50]  }
0x169: {  	v6 =	vld [tilespmem:s28+$0x60];
	v7 =	vmax.f32 v7, $0.0e+00  }
0x16a: {  	v2 =	vadd.f32 v2, v12;
	[tilespmem:s28+$0xD0] =	vst v7;
	v7 =	vld [tilespmem:s28+$0xE0]  }
0x16b: {  	v11 =	vld [tilespmem:s29+$0xE0]  }
0x16c: {  	v2 =	vmax.f32 v2, $0.0e+00;
	v8 =	vadd.f32 v3, v10;
	v3 =	vld [tilespmem:s28+$0xFFFFFF70]  }
0x16d: {  	[tilespmem:s28+$0xFFFFFFD0] =	vst v2;
	v1 =	vadd.f32 v1, v9;
	v2 =	vld [tilespmem:s28+$0xFFFFFFF0]  }
0x16e: {  	v9 =	vmax.f32 v8, $0.0e+00;
	v8 =	vld [tilespmem:s29+$0xFFFFFFE0]  }
0x16f: {  	[tilespmem:s28+$0x50] =	vst v9;
	v9 =	vmax.f32 v1, $0.0e+00;
	v1 =	vld [tilespmem:s28+$0x70]  }
0x170: {  	[tilespmem:s28+$0xFFFFFF50] =	vst v9;
	v9 =	vld [tilespmem:s29+$0x60];
	v7 =	vadd.f32 v11, v7  }
0x171: {  	v10 =	vld [tilespmem:s29+$0xFFFFFF60]  }
0x172: {  	s31 =	simm.s32 $0x8B00;
	s30 =	simm.s32 $0x0;
	s21 =	simm.s32 $0x6500;
	v11 =	vmax.f32 v7, $0.0e+00;
	v7 =	vld [tilespmem:s28+$0xF0]  }
.LBB2_8:
0x173: {  	v12 =	vld [tilespmem:s21+$0x80];
	v5 =	vadd.f32 v8, v5;
	[tilespmem:s28+$0xE0] =	vst v11  }
0x174: {  	s31 =	sadd.s32 $0x200, s31;
	v8 =	vld [tilespmem:s29+$0xF0]  }
0x175: {  	s30 =	sadd.s32 $0x4, s30;
	v11 =	vld [tilespmem:s31+$0x80];
	v5 =	vmax.f32 v5, $0.0e+00;
	v6 =	vadd.f32 v9, v6  }
0x176: {  	p1 =	slt.u32 s30, $0x24;
	v9 =	vld [tilespmem:s31+$0xFFFFFF00];
	v4 =	vadd.f32 v10, v4;
	[tilespmem:s28+$0xFFFFFFE0] =	vst v5  }
0x177: {  	v5 =	vld [tilespmem:s21+$0xFFFFFF80];
	v6 =	vmax.f32 v6, $0.0e+00  }
0x178: {  	v10 =	vld [tilespmem:s31+$0xFFFFFF80];
	v4 =	vmax.f32 v4, $0.0e+00;
	[tilespmem:s28+$0x60] =	vst v6  }
0x179: {  	v6 =	vld [tilespmem:s21+$0x0];
	[tilespmem:s28+$0xFFFFFF60] =	vst v4;
	v4 =	vadd.f32 v8, v7  }
0x17a: {  	v7 =	vld [tilespmem:s31+$0x0];
	v8 =	vadd.f32 v11, v12  }
0x17b: {  	v11 =	vld [tilespmem:s21+$0xFFFFFF00];
	v4 =	vmax.f32 v4, $0.0e+00  }
0x17c: {  	v12 =	vld [tilespmem:s21+$0xFFFFFF10];
	v8 =	vmax.f32 v8, $0.0e+00;
	[tilespmem:s28+$0xF0] =	vst v4  }
0x17d: {  	v4 =	vadd.f32 v10, v5;
	[tilespmem:s21+$0x80] =	vst v8;
	v5 =	vld [tilespmem:s21+$0x90]  }
0x17e: {  	v8 =	vld [tilespmem:s31+$0x90]  }
0x17f: {  	v4 =	vmax.f32 v4, $0.0e+00;
	v10 =	vld [tilespmem:s21+$0xFFFFFF90];
	v6 =	vadd.f32 v7, v6  }
0x180: {  	v7 =	vadd.f32 v9, v11;
	[tilespmem:s21+$0xFFFFFF80] =	vst v4;
	v4 =	vld [tilespmem:s21+$0x10]  }
0x181: {  	v9 =	vld [tilespmem:s31+$0xFFFFFF90];
	v6 =	vmax.f32 v6, $0.0e+00  }
0x182: {  	v7 =	vmax.f32 v7, $0.0e+00;
	v11 =	vld [tilespmem:s21+$0xFFFFFF20];
	[tilespmem:s21+$0x0] =	vst v6  }
0x183: {  	[tilespmem:s21+$0xFFFFFF00] =	vst v7;
	v6 =	vld [tilespmem:s31+$0x10];
	v5 =	vadd.f32 v8, v5  }
0x184: {  	v7 =	vld [tilespmem:s31+$0xFFFFFF10]  }
0x185: {  	v8 =	vld [tilespmem:s21+$0xFFFFFFA0];
	v5 =	vmax.f32 v5, $0.0e+00  }
0x186: {  	v9 =	vadd.f32 v9, v10;
	[tilespmem:s21+$0x90] =	vst v5;
	v5 =	vld [tilespmem:s21+$0xA0]  }
0x187: {  	v10 =	vld [tilespmem:s31+$0xA0]  }
0x188: {  	v9 =	vmax.f32 v9, $0.0e+00;
	v4 =	vadd.f32 v6, v4;
	v6 =	vld [tilespmem:s21+$0x20]  }
0x189: {  	v7 =	vadd.f32 v7, v12;
	v12 =	vld [tilespmem:s21+$0xFFFFFF30];
	[tilespmem:s21+$0xFFFFFF90] =	vst v9  }
0x18a: {  	v9 =	vld [tilespmem:s31+$0xFFFFFFA0];
	v4 =	vmax.f32 v4, $0.0e+00  }
0x18b: {  	v7 =	vmax.f32 v7, $0.0e+00;
	v13 =	vld [tilespmem:s21+$0xFFFFFFB0];
	[tilespmem:s21+$0x10] =	vst v4  }
0x18c: {  	[tilespmem:s21+$0xFFFFFF10] =	vst v7;
	v4 =	vld [tilespmem:s31+$0x20];
	v5 =	vadd.f32 v10, v5  }
0x18d: {  	v7 =	vld [tilespmem:s31+$0xFFFFFF20]  }
0x18e: {  	v10 =	vld [tilespmem:s21+$0x30];
	v5 =	vmax.f32 v5, $0.0e+00  }
0x18f: {  	v8 =	vadd.f32 v9, v8;
	[tilespmem:s21+$0xA0] =	vst v5;
	v5 =	vld [tilespmem:s21+$0xB0]  }
0x190: {  	v9 =	vld [tilespmem:s31+$0xB0]  }
0x191: {  	v14 =	vld [tilespmem:s21+$0xFFFFFF40];
	v8 =	vmax.f32 v8, $0.0e+00;
	v4 =	vadd.f32 v4, v6  }
0x192: {  	v6 =	vadd.f32 v7, v11;
	[tilespmem:s21+$0xFFFFFFA0] =	vst v8;
	v7 =	vld [tilespmem:s21+$0xFFFFFFC0]  }
0x193: {  	v8 =	vld [tilespmem:s31+$0xFFFFFFB0];
	v4 =	vmax.f32 v4, $0.0e+00  }
0x194: {  	v6 =	vmax.f32 v6, $0.0e+00;
	[tilespmem:s21+$0x20] =	vst v4;
	v11 =	vld [tilespmem:s21+$0x40]  }
0x195: {  	[tilespmem:s21+$0xFFFFFF20] =	vst v6;
	v4 =	vld [tilespmem:s31+$0x30];
	v5 =	vadd.f32 v9, v5  }
0x196: {  	v6 =	vld [tilespmem:s31+$0xFFFFFF30]  }
0x197: {  	v9 =	vld [tilespmem:s21+$0xFFFFFF50];
	v5 =	vmax.f32 v5, $0.0e+00  }
0x198: {  	v8 =	vadd.f32 v8, v13;
	[tilespmem:s21+$0xB0] =	vst v5;
	v5 =	vld [tilespmem:s21+$0xC0]  }
0x199: {  	v13 =	vld [tilespmem:s31+$0xC0]  }
0x19a: {  	v8 =	vmax.f32 v8, $0.0e+00;
	v15 =	vld [tilespmem:s21+$0xFFFFFFD0];
	v4 =	vadd.f32 v4, v10  }
0x19b: {  	v6 =	vadd.f32 v6, v12;
	[tilespmem:s21+$0xFFFFFFB0] =	vst v8;
	v8 =	vld [tilespmem:s21+$0x50]  }
0x19c: {  	v10 =	vld [tilespmem:s31+$0xFFFFFFC0];
	v12 =	vmax.f32 v4, $0.0e+00  }
0x19d: {  	v6 =	vmax.f32 v6, $0.0e+00;
	v4 =	vld [tilespmem:s21+$0xFFFFFF60];
	[tilespmem:s21+$0x30] =	vst v12  }
0x19e: {  	[tilespmem:s21+$0xFFFFFF30] =	vst v6;
	v6 =	vld [tilespmem:s31+$0x40];
	v12 =	vadd.f32 v13, v5  }
0x19f: {  	v13 =	vld [tilespmem:s31+$0xFFFFFF40]  }
0x1a0: {  	v5 =	vld [tilespmem:s21+$0xFFFFFFE0];
	v12 =	vmax.f32 v12, $0.0e+00  }
0x1a1: {  	v7 =	vadd.f32 v10, v7;
	[tilespmem:s21+$0xC0] =	vst v12;
	v10 =	vld [tilespmem:s21+$0xD0]  }
0x1a2: {  	v12 =	vld [tilespmem:s31+$0xD0]  }
0x1a3: {  	v7 =	vmax.f32 v7, $0.0e+00;
	v11 =	vadd.f32 v6, v11;
	v6 =	vld [tilespmem:s21+$0x60]  }
0x1a4: {  	v13 =	vadd.f32 v13, v14;
	[tilespmem:s21+$0xFFFFFFC0] =	vst v7;
	v7 =	vld [tilespmem:s29+$0xFFFFFF70]  }
0x1a5: {  	v14 =	vld [tilespmem:s31+$0xFFFFFFD0];
	v11 =	vmax.f32 v11, $0.0e+00  }
0x1a6: {  	v13 =	vmax.f32 v13, $0.0e+00;
	[tilespmem:s21+$0x40] =	vst v11;
	v11 =	vld [tilespmem:s29+$0xFFFFFFF0]  }
0x1a7: {  	[tilespmem:s21+$0xFFFFFF40] =	vst v13;
	v13 =	vld [tilespmem:s31+$0x50];
	v10 =	vadd.f32 v12, v10  }
0x1a8: {  	v12 =	vld [tilespmem:s31+$0xFFFFFF50]  }
0x1a9: {  	v10 =	vmax.f32 v10, $0.0e+00;
	v3 =	vadd.f32 v7, v3;
	v7 =	vld [tilespmem:s29+$0x70];
	s29 =	smov.u32 s31  }
0x1aa: {  	v14 =	vadd.f32 v14, v15;
	[tilespmem:s21+$0xD0] =	vst v10;
	v10 =	vld [tilespmem:s21+$0xE0]  }
0x1ab: {  	v15 =	vld [tilespmem:s31+$0xE0];
	v16 =	vmax.f32 v3, $0.0e+00;
	v11 =	vadd.f32 v11, v2  }
0x1ac: {  	v3 =	vld [tilespmem:s21+$0xFFFFFF70];
	v2 =	vmax.f32 v14, $0.0e+00;
	v13 =	vadd.f32 v13, v8;
	[tilespmem:s28+$0xFFFFFF70] =	vst v16  }
0x1ad: {  	v9 =	vadd.f32 v12, v9;
	[tilespmem:s21+$0xFFFFFFD0] =	vst v2;
	v2 =	vld [tilespmem:s21+$0xFFFFFFF0];
	v11 =	vmax.f32 v11, $0.0e+00  }
.Ltmp2:
0x1ae: {  	v8 =	vld [tilespmem:s31+$0xFFFFFFE0];
	v12 =	vmax.f32 v13, $0.0e+00;
	[tilespmem:s28+$0xFFFFFFF0] =	vst v11;
	v7 =	vadd.f32 v7, v1;
	(pc) =	sbr.rel @p1 .LBB2_8-.Ltmp2, $4  }
0x1af: {  	v9 =	vmax.f32 v9, $0.0e+00;
	[tilespmem:s21+$0x50] =	vst v12;
	v1 =	vld [tilespmem:s21+$0x70]  }
0x1b0: {  	[tilespmem:s21+$0xFFFFFF50] =	vst v9;
	v9 =	vld [tilespmem:s31+$0x60];
	v11 =	vadd.f32 v15, v10;
	v7 =	vmax.f32 v7, $0.0e+00  }
0x1b1: {  	v10 =	vld [tilespmem:s31+$0xFFFFFF60];
	[tilespmem:s28+$0x70] =	vst v7;
	s28 =	smov.u32 s21  }
0x1b2: {  	s21 =	sadd.s32 $0x200, s21;
	v11 =	vmax.f32 v11, $0.0e+00;
	v7 =	vld [tilespmem:s28+$0xF0]  }
0x1b3: {  	_ = 	snop  }
0x1b4: {  	v5 =	vadd.f32 v8, v5  }
0x1b5: {  	v6 =	vadd.f32 v9, v6  }
0x1b6: {  	[tilespmem:s28+$0xE0] =	vst v11;
	v5 =	vmax.f32 v5, $0.0e+00;
	v4 =	vadd.f32 v10, v4  }
0x1b7: {  	v58 =	vld [tilespmem:s29+$0xF0];
	[tilespmem:s28+$0xFFFFFFE0] =	vst v5;
	v59 =	vmax.f32 v6, $0.0e+00  }
0x1b8: {  	v61 =	vld [tilespmem:s29+$0xFFFFFFF0];
	v4 =	vmax.f32 v4, $0.0e+00;
	[tilespmem:s28+$0x60] =	vst v59  }
0x1b9: {  	[tilespmem:s28+$0xFFFFFF60] =	vst v4;
	v62 =	vld [tilespmem:s29+$0x70]  }
0x1ba: {  	v60 =	vld [tilespmem:s29+$0xFFFFFF70];
	_ =	sdelay $0x1  }
0x1bb: {  	v7 =	vadd.f32 v58, v7  }
0x1bc: {  	s25 =	sadd.s32 $0x1, s25;
	v2 =	vadd.f32 v61, v2  }
0x1bd: {  	p1 =	sne.s32 s25, $0x19;
	v63 =	vmax.f32 v7, $0.0e+00;
	v1 =	vadd.f32 v62, v1  }
.Ltmp3:
0x1be: {  	[tilespmem:s28+$0xF0] =	vst v63;
	v2 =	vmax.f32 v2, $0.0e+00;
	v3 =	vadd.f32 v60, v3;
	(pc) =	sbr.rel @p1 .LBB2_5-.Ltmp3, $4  }
0x1bf: {  	s21 =	sshll.u32 s26, $0x7;
	[tilespmem:s28+$0xFFFFFFF0] =	vst v2;
	v1 =	vmax.f32 v1, $0.0e+00  }
0x1c0: {  	s21 =	sand.u32 $0x3FFFFF80, s21;
	v3 =	vmax.f32 v3, $0.0e+00;
	[tilespmem:s28+$0x70] =	vst v1  }
0x1c1: {  	s21 =	sadd.s32 $0x3200, s21;
	[tilespmem:s28+$0xFFFFFF70] =	vst v3  }
0x1c2: {  	[spmem:s3] =	stream.indirect.scatter.add.f32 [tilespmem:s13], [sflag:$0x6], $0x80, s21, s10, $0xb8;
	[tilespmem:$0x1E680] =	vst v63  }
0x1c3: {  	s24 =	sadd.s32 $0x1, s24  }
0x1c4: {  	p1 =	sne.s32 s24, $0x5  }
.Ltmp4:
0x1c5: {  	_ = 	snop;
	(pc) =	sbr.rel @p1 .LBB2_4-.Ltmp4, $1  }
0x1c6: {  	_ =	sdelay $0x3  }
0x1c7: {  	s21 =	simm.s32 $0x6  }
0x1c8: {  	_ =	swait.ge [sflag:s21], $0x1400  }
0x1c9: {  	[sflag:s21] =	ssyncset.done $0x0  }
0x1ca: {  	s30 =	stileid.u32;
	[sflag:s21] =	ssyncadd.s32 $0xFFFFEC00  }
0x1cb: {  	s21 =	sshll.u32 s30, $0x6;
	[bflag:$0x0] =	sbarrier.arrive $0xFFFF  }
0x1cc: {  	s22 =	sshrl.u32 s9, $0x3;
	s21 =	sor.u32 $0x1C07, s21;
	s24 =	rddreg [dreg:$0x11]  }
0x1cd: {  	[hbm:s24], [sflag:s21] =	dma.local [spmem:s22], $0x2700  }
0x1ce: {  	_ =	swait.ge [sflag:s6], $0x2700  }
0x1cf: {  	[sflag:s6] =	ssyncset.done $0x0;
	s25 =	rddreg [dreg:$0x19]  }
0x1d0: {  	s24 =	rddreg [dreg:$0x13];
	[sflag:s6] =	ssyncadd.s32 $0xFFFFD900;
	s22 =	sshrl.u32 @!p0 s25, $0x3  }
0x1d1: {  	[hbm:s24], [sflag:s21] =	dma.local @!p0 [spmem:s22], $0x100  }
0x1d2: {  	s21 =	simm.s32 @!p0 $0x7  }
0x1d3: {  	_ =	swait.ge @!p0 [sflag:s21], $0x100  }
0x1d4: {  	s5 =	sadd.s32 $0x1, s5;
	s31 =	rddreg [dreg:$0x14]  }
0x1d5: {  	p1 =	sne.s32 s5, s31  }
.Ltmp5:
0x1d6: {  	_ = 	snop;
	(pc) =	sbr.rel @p1 .LBB2_1-.Ltmp5, $3  }
0x1d7: {  	_ =	sdelay $0x1  }
0x1d8: {  	[sflag:s21] =	ssyncset.done @!p0 $0x0  }
0x1d9: {  	[sflag:s21] =	ssyncadd.s32 @!p0 $0xFFFFFF00  }
0x1da: {  	_ =	sfence.sel $0x180000  }
0x1db: {  	[bflag:$0x0] =	sbarrier.arrive $0xFFFF  }
0x1dc: {  	_ =	strace $0x90000047  }
0x1dd: {  	[bflag:$0x2] =	sbarrier.arrive $0xFFFF  }
0x1de: {  	s0 =	rddreg [dreg:$0x5]  }
0x1df: {  	s0 =	sadd.s32 @!p0 $0x100000, s0  }
0x1e0: {  	[sflag:s0] =	ssyncadd.tile.s32 @!p0 $0x1;
	_ =	shalt  }
.Lfunc_end2:
_tile_overlayer_lowered:
.L_overlay_start_2:
0x1e1: {  	(tag) =	ssettag $0x2  }
0x1e2: {  	s0 =	rddreg [dreg:$0x0];
	s2 =	stileid.u32  }
0x1e3: {  	s1 =	rddreg [dreg:$0x1];
	p0 =	sne.s32 s2, $0x0  }
0x1e4: {  	s3 =	rddreg [dreg:$0x2];
	[bflag:$0x3] =	sbarrier.arrive $0xFFFF;
	s2 =	simm.s32 @!p0 $0x1C07  }
0x1e5: {  	[timem:s3], [sflag:s2] =	dma.local @!p0 [hbm:s0], s1  }
0x1e6: {  	s0 =	simm.s32 @!p0 $0x7  }
0x1e7: {  	_ =	swait.ge @!p0 [sflag:s0], s1  }
0x1e8: {  	s1 =	ssub.s32 @!p0 $0x0, s1;
	[sflag:s0] =	ssyncset.done @!p0 $0x0  }
0x1e9: {  	[sflag:s0] =	ssyncadd.s32 @!p0 s1  }
0x1ea: {  	[bflag:$0x3] =	sbarrier.arrive $0xFFFF  }
0x1eb: {  	_ =	shalt  }

</sc_bundles>
